<compile_context>
chip_gen: v7x
topology: tpu7x:2x2x1
jax: 0.10.2.dev20260603
libtpu: 0.0.44.dev20260713+nightly
codegen_flags: <defaults>
</compile_context>

<pallas_src>
import functools

import jax
import jax.numpy as jnp
from jax import lax
from jax.experimental import pallas as pl
from jax.experimental.pallas import tpu as pltpu
from jax.experimental.pallas import tpu_sc as plsc

NUM_SEGMENTS = 16
D_MODEL = 1024

_INFO = plsc.get_sparse_core_info()
_NC, _NS, _L = _INFO.num_cores, _INFO.num_subcores, _INFO.num_lanes
_NW = _NC * _NS

_B = 4 * 4096
_H = 8192
_BPW = _H // _NW
_NG = _BPW // _L

_TCBLK = 2048
_TCGRID = (_B - _H) // _TCBLK


@functools.partial(
    pl.kernel,
    mesh=plsc.VectorSubcoreMesh(core_axis_name="c", subcore_axis_name="s"),
    out_type=jax.ShapeDtypeStruct((_H, D_MODEL), jnp.float32),
    scratch_types=[
        pltpu.VMEM((NUM_SEGMENTS, D_MODEL), jnp.float32),
        pltpu.VMEM((_BPW,), jnp.int32),
        pltpu.SemaphoreType.DMA,
    ],
)
def _sc_lookup(seg_hbm, table_hbm, out_hbm, table_v, idx_v, wsem):
    wid = lax.axis_index("s") * _NC + lax.axis_index("c")
    base = wid * _BPW
    pltpu.sync_copy(table_hbm, table_v)
    pltpu.sync_copy(seg_hbm.at[pl.ds(base, _BPW)], idx_v)

    def issue_group(g, _):
        idxs = idx_v[pl.ds(g * _L, _L)]
        row = base + g * _L
        for l in range(_L):
            pltpu.async_copy(table_v.at[idxs[l]], out_hbm.at[row + l], wsem)
        return 0

    lax.fori_loop(0, _NG, issue_group, 0)

    def drain_group(g, _):
        pltpu.make_async_copy(
            table_v, out_hbm.at[pl.ds(base + g * _L, _L)], wsem
        ).wait()
        return 0

    lax.fori_loop(0, _NG, drain_group, 0)


def _tc_body(idx_ref, table_ref, out_ref):
    idx = idx_ref[...]
    onehot = (
        idx[:, None]
        == lax.broadcasted_iota(jnp.int32, (_TCBLK, NUM_SEGMENTS), 1)
    ).astype(jnp.float32)
    out_ref[...] = jnp.dot(
        onehot, table_ref[...], preferred_element_type=jnp.float32
    )


_tc_fill = pl.pallas_call(
    _tc_body,
    grid=(_TCGRID,),
    in_specs=[
        pl.BlockSpec((_TCBLK,), lambda i: (i,)),
        pl.BlockSpec((NUM_SEGMENTS, D_MODEL), lambda i: (0, 0)),
    ],
    out_specs=pl.BlockSpec((_TCBLK, D_MODEL), lambda i: (i, 0)),
    out_shape=jax.ShapeDtypeStruct((_B - _H, D_MODEL), jnp.float32),
)


def kernel(segment_ids, table):
    seg_flat = segment_ids.reshape(-1).astype(jnp.int32)
    out_sc = _sc_lookup(seg_flat, table)
    out_tc = _tc_fill(seg_flat[_H:], table)
    out = jnp.concatenate([out_sc, out_tc], axis=0)
    return out.reshape(segment_ids.shape + (D_MODEL,))

# --- scband reference (transcript-rebuilt; emitter-appended) ---
"""Pipeline reference for scband-segment-embedding-53197464928438 (READ-ONLY COPY).

The authoritative reference and input builder live on the scoring server;
editing this copy changes nothing except your own understanding.
"""

import jax, jax.numpy as jnp
import numpy as np

NUM_SEGMENTS = 16
D_MODEL = 1024

def setup_inputs(seed: int = 0) -> dict:
    key = jax.random.key(seed)
    k1, k2 = jax.random.split(key)
    segment_ids = jax.random.randint(k1, (4, 4096), 0, NUM_SEGMENTS, dtype=jnp.int64 if jax.config.jax_enable_x64 else jnp.int32)
    table = jax.random.normal(k2, (NUM_SEGMENTS, D_MODEL), dtype=jnp.float32) * 0.02
    return {"segment_ids": segment_ids, "table": table}

def reference(segment_ids, table):
    # nn.Embedding lookup: [B, S] -> [B, S, d_model]
    return jnp.take(table, segment_ids, axis=0)

if __name__ == "__main__":
    import jax
    _d = setup_inputs()
    print(jax.jit(kernel)(*tuple(_d.values())))

</pallas_src>

<mosaic_0001>
#map = affine_map<(d0, d1) -> (0)>
#map1 = affine_map<(d0, d1) -> (0, 0)>
module attributes {stable_mosaic.version = 14 : i64} {
  func.func @_sc_lookup(%arg0: i32, %arg1: i32, %arg2: memref<16384xi32, #tpu.memory_space<hbm>>, %arg3: memref<16x1024xf32, #tpu.memory_space<hbm>>, %arg4: memref<8192x1024xf32, #tpu.memory_space<hbm>>, %arg5: memref<16x1024xf32, #tpu.memory_space<vmem>>, %arg6: memref<256xi32, #tpu.memory_space<vmem>>, %arg7: memref<!tpu.dma_semaphore, #tpu.memory_space<semaphore_mem>>) attributes {dimension_semantics = [#tpu.dimension_semantics<core_parallel>, #tpu.dimension_semantics<subcore_parallel>], iteration_bounds = array<i64: 2, 16>, scalar_prefetch = 0 : i64, scratch_operands = 3 : i64, tpu.core_type = #tpu.core_type<sc_vector_subcore>, window_params = [{transform_indices = #map}, {transform_indices = #map1}, {transform_indices = #map1}]} {
    %mul3A = arith.constant 2 : i32
    %mul3A_0 = arith.muli %arg1, %mul3A : i32
    %add3A = arith.addi %mul3A_0, %arg0 : i32
    %mul3A_1 = arith.constant 256 : i32
    %mul3A_2 = arith.muli %add3A, %mul3A_1 : i32
    "tpu.region"() ({
      %run_scoped3A = tpu.sem_alloc : memref<!tpu.dma_semaphore, #tpu.memory_space<semaphore_mem>>
      tpu.enqueue_dma source(%arg3 : memref<16x1024xf32, #tpu.memory_space<hbm>>) target(%arg5 : memref<16x1024xf32, #tpu.memory_space<vmem>>) target_semaphore(%run_scoped3A : memref<!tpu.dma_semaphore, #tpu.memory_space<semaphore_mem>>)
      tpu.wait_dma2 semaphore(%run_scoped3A : memref<!tpu.dma_semaphore, #tpu.memory_space<semaphore_mem>>) src(%arg3 : memref<16x1024xf32, #tpu.memory_space<hbm>>) dst(%arg5 : memref<16x1024xf32, #tpu.memory_space<vmem>>)
      tpu.yield
    }) : () -> ()
    "tpu.region"() ({
      %run_scoped3A = tpu.sem_alloc : memref<!tpu.dma_semaphore, #tpu.memory_space<semaphore_mem>>
      %dma_start3A = tpu.memref_slice %arg2[%mul3A_2] : memref<16384xi32, #tpu.memory_space<hbm>> -> memref<256xi32, #tpu.memory_space<hbm>>
      %dma_start3A_16 = tpu.memref_slice %arg2[%mul3A_2] : memref<16384xi32, #tpu.memory_space<hbm>> -> memref<256xi32, #tpu.memory_space<hbm>>
      tpu.enqueue_dma source(%dma_start3A_16 : memref<256xi32, #tpu.memory_space<hbm>>) target(%arg6 : memref<256xi32, #tpu.memory_space<vmem>>) target_semaphore(%run_scoped3A : memref<!tpu.dma_semaphore, #tpu.memory_space<semaphore_mem>>)
      %dma_wait3A = tpu.memref_slice %arg2[%mul3A_2] : memref<16384xi32, #tpu.memory_space<hbm>> -> memref<256xi32, #tpu.memory_space<hbm>>
      %dma_wait3A_17 = tpu.memref_slice %arg2[%mul3A_2] : memref<16384xi32, #tpu.memory_space<hbm>> -> memref<256xi32, #tpu.memory_space<hbm>>
      tpu.wait_dma2 semaphore(%run_scoped3A : memref<!tpu.dma_semaphore, #tpu.memory_space<semaphore_mem>>) src(%dma_wait3A_17 : memref<256xi32, #tpu.memory_space<hbm>>) dst(%arg6 : memref<256xi32, #tpu.memory_space<vmem>>)
      tpu.yield
    }) : () -> ()
    %scan3A = arith.constant 0 : i32
    %scan3A_3 = arith.constant 0 : i32
    %scan3A_4 = arith.constant 16 : i32
    %scan3A_5 = arith.addi %scan3A_3, %scan3A_4 : i32
    %scan3A_6 = arith.constant 1 : i32
    %scan3A_7 = scf.for %scan3A_16 = %scan3A_3 to %scan3A_5 step %scan3A_6 iter_args(%scan3A_17 = %scan3A) -> (i32)  : i32 {
      %mul3A_18 = arith.constant 16 : i32
      %mul3A_19 = arith.muli %scan3A_16, %mul3A_18 : i32
      %get3A = arith.index_cast %mul3A_19 : i32 to index
      %get3A_20 = tpu.vector_load %arg6[%get3A] {strides = array<i32>} : memref<256xi32, #tpu.memory_space<vmem>>, vector<16xi32>,
      %get3A_21 = vector.shape_cast %get3A_20 : vector<16xi32> to vector<16xi32>
      %mul3A_22 = arith.constant 16 : i32
      %mul3A_23 = arith.muli %scan3A_16, %mul3A_22 : i32
      %add3A_24 = arith.addi %mul3A_2, %mul3A_23 : i32
      %slice3A = vector.extract_strided_slice %get3A_21 {offsets = [0], sizes = [1], strides = [1]} : vector<16xi32> to vector<1xi32>
      %squeeze3A = vector.extract %slice3A[0] : i32 from vector<1xi32>
      %add3A_25 = arith.constant 0 : i32
      %add3A_26 = arith.addi %add3A_24, %add3A_25 : i32
      %dma_start3A = arith.constant 0 : i32
      %dma_start3A_27 = tpu.memref_slice %arg5[%squeeze3A, %dma_start3A] : memref<16x1024xf32, #tpu.memory_space<vmem>> -> memref<1x1024xf32, #tpu.memory_space<vmem>>
      %dma_start3A_28 = tpu.memref_squeeze %dma_start3A_27 : memref<1x1024xf32, #tpu.memory_space<vmem>> -> memref<1024xf32, #tpu.memory_space<vmem>>
      %dma_start3A_29 = arith.constant 0 : i32
      %dma_start3A_30 = tpu.memref_slice %arg4[%add3A_26, %dma_start3A_29] : memref<8192x1024xf32, #tpu.memory_space<hbm>> -> memref<1x1024xf32, #tpu.memory_space<hbm>>
      %dma_start3A_31 = tpu.memref_squeeze %dma_start3A_30 : memref<1x1024xf32, #tpu.memory_space<hbm>> -> memref<1024xf32, #tpu.memory_space<hbm>>
      %dma_start3A_32 = arith.constant 0 : i32
      %dma_start3A_33 = tpu.memref_slice %arg4[%add3A_26, %dma_start3A_32] : memref<8192x1024xf32, #tpu.memory_space<hbm>> -> memref<1x1024xf32, #tpu.memory_space<hbm>>
      %dma_start3A_34 = tpu.memref_squeeze %dma_start3A_33 : memref<1x1024xf32, #tpu.memory_space<hbm>> -> memref<1024xf32, #tpu.memory_space<hbm>>
      %dma_start3A_35 = arith.constant 0 : i32
      %dma_start3A_36 = tpu.memref_slice %arg5[%squeeze3A, %dma_start3A_35] : memref<16x1024xf32, #tpu.memory_space<vmem>> -> memref<1x1024xf32, #tpu.memory_space<vmem>>
      %dma_start3A_37 = tpu.memref_squeeze %dma_start3A_36 : memref<1x1024xf32, #tpu.memory_space<vmem>> -> memref<1024xf32, #tpu.memory_space<vmem>>
      tpu.enqueue_dma source(%dma_start3A_37 : memref<1024xf32, #tpu.memory_space<vmem>>) target(%dma_start3A_34 : memref<1024xf32, #tpu.memory_space<hbm>>) target_semaphore(%arg7 : memref<!tpu.dma_semaphore, #tpu.memory_space<semaphore_mem>>)
      %slice3A_38 = vector.extract_strided_slice %get3A_21 {offsets = [1], sizes = [1], strides = [1]} : vector<16xi32> to vector<1xi32>
      %squeeze3A_39 = vector.extract %slice3A_38[0] : i32 from vector<1xi32>
      %add3A_40 = arith.constant 1 : i32
      %add3A_41 = arith.addi %add3A_24, %add3A_40 : i32
      %dma_start3A_42 = arith.constant 0 : i32
      %dma_start3A_43 = tpu.memref_slice %arg5[%squeeze3A_39, %dma_start3A_42] : memref<16x1024xf32, #tpu.memory_space<vmem>> -> memref<1x1024xf32, #tpu.memory_space<vmem>>
      %dma_start3A_44 = tpu.memref_squeeze %dma_start3A_43 : memref<1x1024xf32, #tpu.memory_space<vmem>> -> memref<1024xf32, #tpu.memory_space<vmem>>
      %dma_start3A_45 = arith.constant 0 : i32
      %dma_start3A_46 = tpu.memref_slice %arg4[%add3A_41, %dma_start3A_45] : memref<8192x1024xf32, #tpu.memory_space<hbm>> -> memref<1x1024xf32, #tpu.memory_space<hbm>>
      %dma_start3A_47 = tpu.memref_squeeze %dma_start3A_46 : memref<1x1024xf32, #tpu.memory_space<hbm>> -> memref<1024xf32, #tpu.memory_space<hbm>>
      %dma_start3A_48 = arith.constant 0 : i32
      %dma_start3A_49 = tpu.memref_slice %arg4[%add3A_41, %dma_start3A_48] : memref<8192x1024xf32, #tpu.memory_space<hbm>> -> memref<1x1024xf32, #tpu.memory_space<hbm>>
      %dma_start3A_50 = tpu.memref_squeeze %dma_start3A_49 : memref<1x1024xf32, #tpu.memory_space<hbm>> -> memref<1024xf32, #tpu.memory_space<hbm>>
      %dma_start3A_51 = arith.constant 0 : i32
      %dma_start3A_52 = tpu.memref_slice %arg5[%squeeze3A_39, %dma_start3A_51] : memref<16x1024xf32, #tpu.memory_space<vmem>> -> memref<1x1024xf32, #tpu.memory_space<vmem>>
      %dma_start3A_53 = tpu.memref_squeeze %dma_start3A_52 : memref<1x1024xf32, #tpu.memory_space<vmem>> -> memref<1024xf32, #tpu.memory_space<vmem>>
      tpu.enqueue_dma source(%dma_start3A_53 : memref<1024xf32, #tpu.memory_space<vmem>>) target(%dma_start3A_50 : memref<1024xf32, #tpu.memory_space<hbm>>) target_semaphore(%arg7 : memref<!tpu.dma_semaphore, #tpu.memory_space<semaphore_mem>>)
      %slice3A_54 = vector.extract_strided_slice %get3A_21 {offsets = [2], sizes = [1], strides = [1]} : vector<16xi32> to vector<1xi32>
      %squeeze3A_55 = vector.extract %slice3A_54[0] : i32 from vector<1xi32>
      %add3A_56 = arith.constant 2 : i32
      %add3A_57 = arith.addi %add3A_24, %add3A_56 : i32
      %dma_start3A_58 = arith.constant 0 : i32
      %dma_start3A_59 = tpu.memref_slice %arg5[%squeeze3A_55, %dma_start3A_58] : memref<16x1024xf32, #tpu.memory_space<vmem>> -> memref<1x1024xf32, #tpu.memory_space<vmem>>
      %dma_start3A_60 = tpu.memref_squeeze %dma_start3A_59 : memref<1x1024xf32, #tpu.memory_space<vmem>> -> memref<1024xf32, #tpu.memory_space<vmem>>
      %dma_start3A_61 = arith.constant 0 : i32
      %dma_start3A_62 = tpu.memref_slice %arg4[%add3A_57, %dma_start3A_61] : memref<8192x1024xf32, #tpu.memory_space<hbm>> -> memref<1x1024xf32, #tpu.memory_space<hbm>>
      %dma_start3A_63 = tpu.memref_squeeze %dma_start3A_62 : memref<1x1024xf32, #tpu.memory_space<hbm>> -> memref<1024xf32, #tpu.memory_space<hbm>>
      %dma_start3A_64 = arith.constant 0 : i32
      %dma_start3A_65 = tpu.memref_slice %arg4[%add3A_57, %dma_start3A_64] : memref<8192x1024xf32, #tpu.memory_space<hbm>> -> memref<1x1024xf32, #tpu.memory_space<hbm>>
      %dma_start3A_66 = tpu.memref_squeeze %dma_start3A_65 : memref<1x1024xf32, #tpu.memory_space<hbm>> -> memref<1024xf32, #tpu.memory_space<hbm>>
      %dma_start3A_67 = arith.constant 0 : i32
      %dma_start3A_68 = tpu.memref_slice %arg5[%squeeze3A_55, %dma_start3A_67] : memref<16x1024xf32, #tpu.memory_space<vmem>> -> memref<1x1024xf32, #tpu.memory_space<vmem>>
      %dma_start3A_69 = tpu.memref_squeeze %dma_start3A_68 : memref<1x1024xf32, #tpu.memory_space<vmem>> -> memref<1024xf32, #tpu.memory_space<vmem>>
      tpu.enqueue_dma source(%dma_start3A_69 : memref<1024xf32, #tpu.memory_space<vmem>>) target(%dma_start3A_66 : memref<1024xf32, #tpu.memory_space<hbm>>) target_semaphore(%arg7 : memref<!tpu.dma_semaphore, #tpu.memory_space<semaphore_mem>>)
      %slice3A_70 = vector.extract_strided_slice %get3A_21 {offsets = [3], sizes = [1], strides = [1]} : vector<16xi32> to vector<1xi32>
      %squeeze3A_71 = vector.extract %slice3A_70[0] : i32 from vector<1xi32>
      %add3A_72 = arith.constant 3 : i32
      %add3A_73 = arith.addi %add3A_24, %add3A_72 : i32
      %dma_start3A_74 = arith.constant 0 : i32
      %dma_start3A_75 = tpu.memref_slice %arg5[%squeeze3A_71, %dma_start3A_74] : memref<16x1024xf32, #tpu.memory_space<vmem>> -> memref<1x1024xf32, #tpu.memory_space<vmem>>
      %dma_start3A_76 = tpu.memref_squeeze %dma_start3A_75 : memref<1x1024xf32, #tpu.memory_space<vmem>> -> memref<1024xf32, #tpu.memory_space<vmem>>
      %dma_start3A_77 = arith.constant 0 : i32
      %dma_start3A_78 = tpu.memref_slice %arg4[%add3A_73, %dma_start3A_77] : memref<8192x1024xf32, #tpu.memory_space<hbm>> -> memref<1x1024xf32, #tpu.memory_space<hbm>>
      %dma_start3A_79 = tpu.memref_squeeze %dma_start3A_78 : memref<1x1024xf32, #tpu.memory_space<hbm>> -> memref<1024xf32, #tpu.memory_space<hbm>>
      %dma_start3A_80 = arith.constant 0 : i32
      %dma_start3A_81 = tpu.memref_slice %arg4[%add3A_73, %dma_start3A_80] : memref<8192x1024xf32, #tpu.memory_space<hbm>> -> memref<1x1024xf32, #tpu.memory_space<hbm>>
      %dma_start3A_82 = tpu.memref_squeeze %dma_start3A_81 : memref<1x1024xf32, #tpu.memory_space<hbm>> -> memref<1024xf32, #tpu.memory_space<hbm>>
      %dma_start3A_83 = arith.constant 0 : i32
      %dma_start3A_84 = tpu.memref_slice %arg5[%squeeze3A_71, %dma_start3A_83] : memref<16x1024xf32, #tpu.memory_space<vmem>> -> memref<1x1024xf32, #tpu.memory_space<vmem>>
      %dma_start3A_85 = tpu.memref_squeeze %dma_start3A_84 : memref<1x1024xf32, #tpu.memory_space<vmem>> -> memref<1024xf32, #tpu.memory_space<vmem>>
      tpu.enqueue_dma source(%dma_start3A_85 : memref<1024xf32, #tpu.memory_space<vmem>>) target(%dma_start3A_82 : memref<1024xf32, #tpu.memory_space<hbm>>) target_semaphore(%arg7 : memref<!tpu.dma_semaphore, #tpu.memory_space<semaphore_mem>>)
      %slice3A_86 = vector.extract_strided_slice %get3A_21 {offsets = [4], sizes = [1], strides = [1]} : vector<16xi32> to vector<1xi32>
      %squeeze3A_87 = vector.extract %slice3A_86[0] : i32 from vector<1xi32>
      %add3A_88 = arith.constant 4 : i32
      %add3A_89 = arith.addi %add3A_24, %add3A_88 : i32
      %dma_start3A_90 = arith.constant 0 : i32
      %dma_start3A_91 = tpu.memref_slice %arg5[%squeeze3A_87, %dma_start3A_90] : memref<16x1024xf32, #tpu.memory_space<vmem>> -> memref<1x1024xf32, #tpu.memory_space<vmem>>
      %dma_start3A_92 = tpu.memref_squeeze %dma_start3A_91 : memref<1x1024xf32, #tpu.memory_space<vmem>> -> memref<1024xf32, #tpu.memory_space<vmem>>
      %dma_start3A_93 = arith.constant 0 : i32
      %dma_start3A_94 = tpu.memref_slice %arg4[%add3A_89, %dma_start3A_93] : memref<8192x1024xf32, #tpu.memory_space<hbm>> -> memref<1x1024xf32, #tpu.memory_space<hbm>>
      %dma_start3A_95 = tpu.memref_squeeze %dma_start3A_94 : memref<1x1024xf32, #tpu.memory_space<hbm>> -> memref<1024xf32, #tpu.memory_space<hbm>>
      %dma_start3A_96 = arith.constant 0 : i32
      %dma_start3A_97 = tpu.memref_slice %arg4[%add3A_89, %dma_start3A_96] : memref<8192x1024xf32, #tpu.memory_space<hbm>> -> memref<1x1024xf32, #tpu.memory_space<hbm>>
      %dma_start3A_98 = tpu.memref_squeeze %dma_start3A_97 : memref<1x1024xf32, #tpu.memory_space<hbm>> -> memref<1024xf32, #tpu.memory_space<hbm>>
      %dma_start3A_99 = arith.constant 0 : i32
      %dma_start3A_100 = tpu.memref_slice %arg5[%squeeze3A_87, %dma_start3A_99] : memref<16x1024xf32, #tpu.memory_space<vmem>> -> memref<1x1024xf32, #tpu.memory_space<vmem>>
      %dma_start3A_101 = tpu.memref_squeeze %dma_start3A_100 : memref<1x1024xf32, #tpu.memory_space<vmem>> -> memref<1024xf32, #tpu.memory_space<vmem>>
      tpu.enqueue_dma source(%dma_start3A_101 : memref<1024xf32, #tpu.memory_space<vmem>>) target(%dma_start3A_98 : memref<1024xf32, #tpu.memory_space<hbm>>) target_semaphore(%arg7 : memref<!tpu.dma_semaphore, #tpu.memory_space<semaphore_mem>>)
      %slice3A_102 = vector.extract_strided_slice %get3A_21 {offsets = [5], sizes = [1], strides = [1]} : vector<16xi32> to vector<1xi32>
      %squeeze3A_103 = vector.extract %slice3A_102[0] : i32 from vector<1xi32>
      %add3A_104 = arith.constant 5 : i32
      %add3A_105 = arith.addi %add3A_24, %add3A_104 : i32
      %dma_start3A_106 = arith.constant 0 : i32
      %dma_start3A_107 = tpu.memref_slice %arg5[%squeeze3A_103, %dma_start3A_106] : memref<16x1024xf32, #tpu.memory_space<vmem>> -> memref<1x1024xf32, #tpu.memory_space<vmem>>
      %dma_start3A_108 = tpu.memref_squeeze %dma_start3A_107 : memref<1x1024xf32, #tpu.memory_space<vmem>> -> memref<1024xf32, #tpu.memory_space<vmem>>
      %dma_start3A_109 = arith.constant 0 : i32
      %dma_start3A_110 = tpu.memref_slice %arg4[%add3A_105, %dma_start3A_109] : memref<8192x1024xf32, #tpu.memory_space<hbm>> -> memref<1x1024xf32, #tpu.memory_space<hbm>>
      %dma_start3A_111 = tpu.memref_squeeze %dma_start3A_110 : memref<1x1024xf32, #tpu.memory_space<hbm>> -> memref<1024xf32, #tpu.memory_space<hbm>>
      %dma_start3A_112 = arith.constant 0 : i32
      %dma_start3A_113 = tpu.memref_slice %arg4[%add3A_105, %dma_start3A_112] : memref<8192x1024xf32, #tpu.memory_space<hbm>> -> memref<1x1024xf32, #tpu.memory_space<hbm>>
      %dma_start3A_114 = tpu.memref_squeeze %dma_start3A_113 : memref<1x1024xf32, #tpu.memory_space<hbm>> -> memref<1024xf32, #tpu.memory_space<hbm>>
      %dma_start3A_115 = arith.constant 0 : i32
      %dma_start3A_116 = tpu.memref_slice %arg5[%squeeze3A_103, %dma_start3A_115] : memref<16x1024xf32, #tpu.memory_space<vmem>> -> memref<1x1024xf32, #tpu.memory_space<vmem>>
      %dma_start3A_117 = tpu.memref_squeeze %dma_start3A_116 : memref<1x1024xf32, #tpu.memory_space<vmem>> -> memref<1024xf32, #tpu.memory_space<vmem>>
      tpu.enqueue_dma source(%dma_start3A_117 : memref<1024xf32, #tpu.memory_space<vmem>>) target(%dma_start3A_114 : memref<1024xf32, #tpu.memory_space<hbm>>) target_semaphore(%arg7 : memref<!tpu.dma_semaphore, #tpu.memory_space<semaphore_mem>>)
      %slice3A_118 = vector.extract_strided_slice %get3A_21 {offsets = [6], sizes = [1], strides = [1]} : vector<16xi32> to vector<1xi32>
      %squeeze3A_119 = vector.extract %slice3A_118[0] : i32 from vector<1xi32>
      %add3A_120 = arith.constant 6 : i32
      %add3A_121 = arith.addi %add3A_24, %add3A_120 : i32
      %dma_start3A_122 = arith.constant 0 : i32
      %dma_start3A_123 = tpu.memref_slice %arg5[%squeeze3A_119, %dma_start3A_122] : memref<16x1024xf32, #tpu.memory_space<vmem>> -> memref<1x1024xf32, #tpu.memory_space<vmem>>
      %dma_start3A_124 = tpu.memref_squeeze %dma_start3A_123 : memref<1x1024xf32, #tpu.memory_space<vmem>> -> memref<1024xf32, #tpu.memory_space<vmem>>
      %dma_start3A_125 = arith.constant 0 : i32
      %dma_start3A_126 = tpu.memref_slice %arg4[%add3A_121, %dma_start3A_125] : memref<8192x1024xf32, #tpu.memory_space<hbm>> -> memref<1x1024xf32, #tpu.memory_space<hbm>>
      %dma_start3A_127 = tpu.memref_squeeze %dma_start3A_126 : memref<1x1024xf32, #tpu.memory_space<hbm>> -> memref<1024xf32, #tpu.memory_space<hbm>>
      %dma_start3A_128 = arith.constant 0 : i32
      %dma_start3A_129 = tpu.memref_slice %arg4[%add3A_121, %dma_start3A_128] : memref<8192x1024xf32, #tpu.memory_space<hbm>> -> memref<1x1024xf32, #tpu.memory_space<hbm>>
      %dma_start3A_130 = tpu.memref_squeeze %dma_start3A_129 : memref<1x1024xf32, #tpu.memory_space<hbm>> -> memref<1024xf32, #tpu.memory_space<hbm>>
      %dma_start3A_131 = arith.constant 0 : i32
      %dma_start3A_132 = tpu.memref_slice %arg5[%squeeze3A_119, %dma_start3A_131] : memref<16x1024xf32, #tpu.memory_space<vmem>> -> memref<1x1024xf32, #tpu.memory_space<vmem>>
      %dma_start3A_133 = tpu.memref_squeeze %dma_start3A_132 : memref<1x1024xf32, #tpu.memory_space<vmem>> -> memref<1024xf32, #tpu.memory_space<vmem>>
      tpu.enqueue_dma source(%dma_start3A_133 : memref<1024xf32, #tpu.memory_space<vmem>>) target(%dma_start3A_130 : memref<1024xf32, #tpu.memory_space<hbm>>) target_semaphore(%arg7 : memref<!tpu.dma_semaphore, #tpu.memory_space<semaphore_mem>>)
      %slice3A_134 = vector.extract_strided_slice %get3A_21 {offsets = [7], sizes = [1], strides = [1]} : vector<16xi32> to vector<1xi32>
      %squeeze3A_135 = vector.extract %slice3A_134[0] : i32 from vector<1xi32>
      %add3A_136 = arith.constant 7 : i32
      %add3A_137 = arith.addi %add3A_24, %add3A_136 : i32
      %dma_start3A_138 = arith.constant 0 : i32
      %dma_start3A_139 = tpu.memref_slice %arg5[%squeeze3A_135, %dma_start3A_138] : memref<16x1024xf32, #tpu.memory_space<vmem>> -> memref<1x1024xf32, #tpu.memory_space<vmem>>
      %dma_start3A_140 = tpu.memref_squeeze %dma_start3A_139 : memref<1x1024xf32, #tpu.memory_space<vmem>> -> memref<1024xf32, #tpu.memory_space<vmem>>
      %dma_start3A_141 = arith.constant 0 : i32
      %dma_start3A_142 = tpu.memref_slice %arg4[%add3A_137, %dma_start3A_141] : memref<8192x1024xf32, #tpu.memory_space<hbm>> -> memref<1x1024xf32, #tpu.memory_space<hbm>>
      %dma_start3A_143 = tpu.memref_squeeze %dma_start3A_142 : memref<1x1024xf32, #tpu.memory_space<hbm>> -> memref<1024xf32, #tpu.memory_space<hbm>>
      %dma_start3A_144 = arith.constant 0 : i32
      %dma_start3A_145 = tpu.memref_slice %arg4[%add3A_137, %dma_start3A_144] : memref<8192x1024xf32, #tpu.memory_space<hbm>> -> memref<1x1024xf32, #tpu.memory_space<hbm>>
      %dma_start3A_146 = tpu.memref_squeeze %dma_start3A_145 : memref<1x1024xf32, #tpu.memory_space<hbm>> -> memref<1024xf32, #tpu.memory_space<hbm>>
      %dma_start3A_147 = arith.constant 0 : i32
      %dma_start3A_148 = tpu.memref_slice %arg5[%squeeze3A_135, %dma_start3A_147] : memref<16x1024xf32, #tpu.memory_space<vmem>> -> memref<1x1024xf32, #tpu.memory_space<vmem>>
      %dma_start3A_149 = tpu.memref_squeeze %dma_start3A_148 : memref<1x1024xf32, #tpu.memory_space<vmem>> -> memref<1024xf32, #tpu.memory_space<vmem>>
      tpu.enqueue_dma source(%dma_start3A_149 : memref<1024xf32, #tpu.memory_space<vmem>>) target(%dma_start3A_146 : memref<1024xf32, #tpu.memory_space<hbm>>) target_semaphore(%arg7 : memref<!tpu.dma_semaphore, #tpu.memory_space<semaphore_mem>>)
      %slice3A_150 = vector.extract_strided_slice %get3A_21 {offsets = [8], sizes = [1], strides = [1]} : vector<16xi32> to vector<1xi32>
      %squeeze3A_151 = vector.extract %slice3A_150[0] : i32 from vector<1xi32>
      %add3A_152 = arith.constant 8 : i32
      %add3A_153 = arith.addi %add3A_24, %add3A_152 : i32
      %dma_start3A_154 = arith.constant 0 : i32
      %dma_start3A_155 = tpu.memref_slice %arg5[%squeeze3A_151, %dma_start3A_154] : memref<16x1024xf32, #tpu.memory_space<vmem>> -> memref<1x1024xf32, #tpu.memory_space<vmem>>
      %dma_start3A_156 = tpu.memref_squeeze %dma_start3A_155 : memref<1x1024xf32, #tpu.memory_space<vmem>> -> memref<1024xf32, #tpu.memory_space<vmem>>
      %dma_start3A_157 = arith.constant 0 : i32
      %dma_start3A_158 = tpu.memref_slice %arg4[%add3A_153, %dma_start3A_157] : memref<8192x1024xf32, #tpu.memory_space<hbm>> -> memref<1x1024xf32, #tpu.memory_space<hbm>>
      %dma_start3A_159 = tpu.memref_squeeze %dma_start3A_158 : memref<1x1024xf32, #tpu.memory_space<hbm>> -> memref<1024xf32, #tpu.memory_space<hbm>>
      %dma_start3A_160 = arith.constant 0 : i32
      %dma_start3A_161 = tpu.memref_slice %arg4[%add3A_153, %dma_start3A_160] : memref<8192x1024xf32, #tpu.memory_space<hbm>> -> memref<1x1024xf32, #tpu.memory_space<hbm>>
      %dma_start3A_162 = tpu.memref_squeeze %dma_start3A_161 : memref<1x1024xf32, #tpu.memory_space<hbm>> -> memref<1024xf32, #tpu.memory_space<hbm>>
      %dma_start3A_163 = arith.constant 0 : i32
      %dma_start3A_164 = tpu.memref_slice %arg5[%squeeze3A_151, %dma_start3A_163] : memref<16x1024xf32, #tpu.memory_space<vmem>> -> memref<1x1024xf32, #tpu.memory_space<vmem>>
      %dma_start3A_165 = tpu.memref_squeeze %dma_start3A_164 : memref<1x1024xf32, #tpu.memory_space<vmem>> -> memref<1024xf32, #tpu.memory_space<vmem>>
      tpu.enqueue_dma source(%dma_start3A_165 : memref<1024xf32, #tpu.memory_space<vmem>>) target(%dma_start3A_162 : memref<1024xf32, #tpu.memory_space<hbm>>) target_semaphore(%arg7 : memref<!tpu.dma_semaphore, #tpu.memory_space<semaphore_mem>>)
      %slice3A_166 = vector.extract_strided_slice %get3A_21 {offsets = [9], sizes = [1], strides = [1]} : vector<16xi32> to vector<1xi32>
      %squeeze3A_167 = vector.extract %slice3A_166[0] : i32 from vector<1xi32>
      %add3A_168 = arith.constant 9 : i32
      %add3A_169 = arith.addi %add3A_24, %add3A_168 : i32
      %dma_start3A_170 = arith.constant 0 : i32
      %dma_start3A_171 = tpu.memref_slice %arg5[%squeeze3A_167, %dma_start3A_170] : memref<16x1024xf32, #tpu.memory_space<vmem>> -> memref<1x1024xf32, #tpu.memory_space<vmem>>
      %dma_start3A_172 = tpu.memref_squeeze %dma_start3A_171 : memref<1x1024xf32, #tpu.memory_space<vmem>> -> memref<1024xf32, #tpu.memory_space<vmem>>
      %dma_start3A_173 = arith.constant 0 : i32
      %dma_start3A_174 = tpu.memref_slice %arg4[%add3A_169, %dma_start3A_173] : memref<8192x1024xf32, #tpu.memory_space<hbm>> -> memref<1x1024xf32, #tpu.memory_space<hbm>>
      %dma_start3A_175 = tpu.memref_squeeze %dma_start3A_174 : memref<1x1024xf32, #tpu.memory_space<hbm>> -> memref<1024xf32, #tpu.memory_space<hbm>>
      %dma_start3A_176 = arith.constant 0 : i32
      %dma_start3A_177 = tpu.memref_slice %arg4[%add3A_169, %dma_start3A_176] : memref<8192x1024xf32, #tpu.memory_space<hbm>> -> memref<1x1024xf32, #tpu.memory_space<hbm>>
      %dma_start3A_178 = tpu.memref_squeeze %dma_start3A_177 : memref<1x1024xf32, #tpu.memory_space<hbm>> -> memref<1024xf32, #tpu.memory_space<hbm>>
      %dma_start3A_179 = arith.constant 0 : i32
      %dma_start3A_180 = tpu.memref_slice %arg5[%squeeze3A_167, %dma_start3A_179] : memref<16x1024xf32, #tpu.memory_space<vmem>> -> memref<1x1024xf32, #tpu.memory_space<vmem>>
      %dma_start3A_181 = tpu.memref_squeeze %dma_start3A_180 : memref<1x1024xf32, #tpu.memory_space<vmem>> -> memref<1024xf32, #tpu.memory_space<vmem>>
      tpu.enqueue_dma source(%dma_start3A_181 : memref<1024xf32, #tpu.memory_space<vmem>>) target(%dma_start3A_178 : memref<1024xf32, #tpu.memory_space<hbm>>) target_semaphore(%arg7 : memref<!tpu.dma_semaphore, #tpu.memory_space<semaphore_mem>>)
      %slice3A_182 = vector.extract_strided_slice %get3A_21 {offsets = [10], sizes = [1], strides = [1]} : vector<16xi32> to vector<1xi32>
      %squeeze3A_183 = vector.extract %slice3A_182[0] : i32 from vector<1xi32>
      %add3A_184 = arith.constant 10 : i32
      %add3A_185 = arith.addi %add3A_24, %add3A_184 : i32
      %dma_start3A_186 = arith.constant 0 : i32
      %dma_start3A_187 = tpu.memref_slice %arg5[%squeeze3A_183, %dma_start3A_186] : memref<16x1024xf32, #tpu.memory_space<vmem>> -> memref<1x1024xf32, #tpu.memory_space<vmem>>
      %dma_start3A_188 = tpu.memref_squeeze %dma_start3A_187 : memref<1x1024xf32, #tpu.memory_space<vmem>> -> memref<1024xf32, #tpu.memory_space<vmem>>
      %dma_start3A_189 = arith.constant 0 : i32
      %dma_start3A_190 = tpu.memref_slice %arg4[%add3A_185, %dma_start3A_189] : memref<8192x1024xf32, #tpu.memory_space<hbm>> -> memref<1x1024xf32, #tpu.memory_space<hbm>>
      %dma_start3A_191 = tpu.memref_squeeze %dma_start3A_190 : memref<1x1024xf32, #tpu.memory_space<hbm>> -> memref<1024xf32, #tpu.memory_space<hbm>>
      %dma_start3A_192 = arith.constant 0 : i32
      %dma_start3A_193 = tpu.memref_slice %arg4[%add3A_185, %dma_start3A_192] : memref<8192x1024xf32, #tpu.memory_space<hbm>> -> memref<1x1024xf32, #tpu.memory_space<hbm>>
      %dma_start3A_194 = tpu.memref_squeeze %dma_start3A_193 : memref<1x1024xf32, #tpu.memory_space<hbm>> -> memref<1024xf32, #tpu.memory_space<hbm>>
      %dma_start3A_195 = arith.constant 0 : i32
      %dma_start3A_196 = tpu.memref_slice %arg5[%squeeze3A_183, %dma_start3A_195] : memref<16x1024xf32, #tpu.memory_space<vmem>> -> memref<1x1024xf32, #tpu.memory_space<vmem>>
      %dma_start3A_197 = tpu.memref_squeeze %dma_start3A_196 : memref<1x1024xf32, #tpu.memory_space<vmem>> -> memref<1024xf32, #tpu.memory_space<vmem>>
      tpu.enqueue_dma source(%dma_start3A_197 : memref<1024xf32, #tpu.memory_space<vmem>>) target(%dma_start3A_194 : memref<1024xf32, #tpu.memory_space<hbm>>) target_semaphore(%arg7 : memref<!tpu.dma_semaphore, #tpu.memory_space<semaphore_mem>>)
      %slice3A_198 = vector.extract_strided_slice %get3A_21 {offsets = [11], sizes = [1], strides = [1]} : vector<16xi32> to vector<1xi32>
      %squeeze3A_199 = vector.extract %slice3A_198[0] : i32 from vector<1xi32>
      %add3A_200 = arith.constant 11 : i32
      %add3A_201 = arith.addi %add3A_24, %add3A_200 : i32
      %dma_start3A_202 = arith.constant 0 : i32
      %dma_start3A_203 = tpu.memref_slice %arg5[%squeeze3A_199, %dma_start3A_202] : memref<16x1024xf32, #tpu.memory_space<vmem>> -> memref<1x1024xf32, #tpu.memory_space<vmem>>
      %dma_start3A_204 = tpu.memref_squeeze %dma_start3A_203 : memref<1x1024xf32, #tpu.memory_space<vmem>> -> memref<1024xf32, #tpu.memory_space<vmem>>
      %dma_start3A_205 = arith.constant 0 : i32
      %dma_start3A_206 = tpu.memref_slice %arg4[%add3A_201, %dma_start3A_205] : memref<8192x1024xf32, #tpu.memory_space<hbm>> -> memref<1x1024xf32, #tpu.memory_space<hbm>>
      %dma_start3A_207 = tpu.memref_squeeze %dma_start3A_206 : memref<1x1024xf32, #tpu.memory_space<hbm>> -> memref<1024xf32, #tpu.memory_space<hbm>>
      %dma_start3A_208 = arith.constant 0 : i32
      %dma_start3A_209 = tpu.memref_slice %arg4[%add3A_201, %dma_start3A_208] : memref<8192x1024xf32, #tpu.memory_space<hbm>> -> memref<1x1024xf32, #tpu.memory_space<hbm>>
      %dma_start3A_210 = tpu.memref_squeeze %dma_start3A_209 : memref<1x1024xf32, #tpu.memory_space<hbm>> -> memref<1024xf32, #tpu.memory_space<hbm>>
      %dma_start3A_211 = arith.constant 0 : i32
      %dma_start3A_212 = tpu.memref_slice %arg5[%squeeze3A_199, %dma_start3A_211] : memref<16x1024xf32, #tpu.memory_space<vmem>> -> memref<1x1024xf32, #tpu.memory_space<vmem>>
      %dma_start3A_213 = tpu.memref_squeeze %dma_start3A_212 : memref<1x1024xf32, #tpu.memory_space<vmem>> -> memref<1024xf32, #tpu.memory_space<vmem>>
      tpu.enqueue_dma source(%dma_start3A_213 : memref<1024xf32, #tpu.memory_space<vmem>>) target(%dma_start3A_210 : memref<1024xf32, #tpu.memory_space<hbm>>) target_semaphore(%arg7 : memref<!tpu.dma_semaphore, #tpu.memory_space<semaphore_mem>>)
      %slice3A_214 = vector.extract_strided_slice %get3A_21 {offsets = [12], sizes = [1], strides = [1]} : vector<16xi32> to vector<1xi32>
      %squeeze3A_215 = vector.extract %slice3A_214[0] : i32 from vector<1xi32>
      %add3A_216 = arith.constant 12 : i32
      %add3A_217 = arith.addi %add3A_24, %add3A_216 : i32
      %dma_start3A_218 = arith.constant 0 : i32
      %dma_start3A_219 = tpu.memref_slice %arg5[%squeeze3A_215, %dma_start3A_218] : memref<16x1024xf32, #tpu.memory_space<vmem>> -> memref<1x1024xf32, #tpu.memory_space<vmem>>
      %dma_start3A_220 = tpu.memref_squeeze %dma_start3A_219 : memref<1x1024xf32, #tpu.memory_space<vmem>> -> memref<1024xf32, #tpu.memory_space<vmem>>
      %dma_start3A_221 = arith.constant 0 : i32
      %dma_start3A_222 = tpu.memref_slice %arg4[%add3A_217, %dma_start3A_221] : memref<8192x1024xf32, #tpu.memory_space<hbm>> -> memref<1x1024xf32, #tpu.memory_space<hbm>>
      %dma_start3A_223 = tpu.memref_squeeze %dma_start3A_222 : memref<1x1024xf32, #tpu.memory_space<hbm>> -> memref<1024xf32, #tpu.memory_space<hbm>>
      %dma_start3A_224 = arith.constant 0 : i32
      %dma_start3A_225 = tpu.memref_slice %arg4[%add3A_217, %dma_start3A_224] : memref<8192x1024xf32, #tpu.memory_space<hbm>> -> memref<1x1024xf32, #tpu.memory_space<hbm>>
      %dma_start3A_226 = tpu.memref_squeeze %dma_start3A_225 : memref<1x1024xf32, #tpu.memory_space<hbm>> -> memref<1024xf32, #tpu.memory_space<hbm>>
      %dma_start3A_227 = arith.constant 0 : i32
      %dma_start3A_228 = tpu.memref_slice %arg5[%squeeze3A_215, %dma_start3A_227] : memref<16x1024xf32, #tpu.memory_space<vmem>> -> memref<1x1024xf32, #tpu.memory_space<vmem>>
      %dma_start3A_229 = tpu.memref_squeeze %dma_start3A_228 : memref<1x1024xf32, #tpu.memory_space<vmem>> -> memref<1024xf32, #tpu.memory_space<vmem>>
      tpu.enqueue_dma source(%dma_start3A_229 : memref<1024xf32, #tpu.memory_space<vmem>>) target(%dma_start3A_226 : memref<1024xf32, #tpu.memory_space<hbm>>) target_semaphore(%arg7 : memref<!tpu.dma_semaphore, #tpu.memory_space<semaphore_mem>>)
      %slice3A_230 = vector.extract_strided_slice %get3A_21 {offsets = [13], sizes = [1], strides = [1]} : vector<16xi32> to vector<1xi32>
      %squeeze3A_231 = vector.extract %slice3A_230[0] : i32 from vector<1xi32>
      %add3A_232 = arith.constant 13 : i32
      %add3A_233 = arith.addi %add3A_24, %add3A_232 : i32
      %dma_start3A_234 = arith.constant 0 : i32
      %dma_start3A_235 = tpu.memref_slice %arg5[%squeeze3A_231, %dma_start3A_234] : memref<16x1024xf32, #tpu.memory_space<vmem>> -> memref<1x1024xf32, #tpu.memory_space<vmem>>
      %dma_start3A_236 = tpu.memref_squeeze %dma_start3A_235 : memref<1x1024xf32, #tpu.memory_space<vmem>> -> memref<1024xf32, #tpu.memory_space<vmem>>
      %dma_start3A_237 = arith.constant 0 : i32
      %dma_start3A_238 = tpu.memref_slice %arg4[%add3A_233, %dma_start3A_237] : memref<8192x1024xf32, #tpu.memory_space<hbm>> -> memref<1x1024xf32, #tpu.memory_space<hbm>>
      %dma_start3A_239 = tpu.memref_squeeze %dma_start3A_238 : memref<1x1024xf32, #tpu.memory_space<hbm>> -> memref<1024xf32, #tpu.memory_space<hbm>>
      %dma_start3A_240 = arith.constant 0 : i32
      %dma_start3A_241 = tpu.memref_slice %arg4[%add3A_233, %dma_start3A_240] : memref<8192x1024xf32, #tpu.memory_space<hbm>> -> memref<1x1024xf32, #tpu.memory_space<hbm>>
      %dma_start3A_242 = tpu.memref_squeeze %dma_start3A_241 : memref<1x1024xf32, #tpu.memory_space<hbm>> -> memref<1024xf32, #tpu.memory_space<hbm>>
      %dma_start3A_243 = arith.constant 0 : i32
      %dma_start3A_244 = tpu.memref_slice %arg5[%squeeze3A_231, %dma_start3A_243] : memref<16x1024xf32, #tpu.memory_space<vmem>> -> memref<1x1024xf32, #tpu.memory_space<vmem>>
      %dma_start3A_245 = tpu.memref_squeeze %dma_start3A_244 : memref<1x1024xf32, #tpu.memory_space<vmem>> -> memref<1024xf32, #tpu.memory_space<vmem>>
      tpu.enqueue_dma source(%dma_start3A_245 : memref<1024xf32, #tpu.memory_space<vmem>>) target(%dma_start3A_242 : memref<1024xf32, #tpu.memory_space<hbm>>) target_semaphore(%arg7 : memref<!tpu.dma_semaphore, #tpu.memory_space<semaphore_mem>>)
      %slice3A_246 = vector.extract_strided_slice %get3A_21 {offsets = [14], sizes = [1], strides = [1]} : vector<16xi32> to vector<1xi32>
      %squeeze3A_247 = vector.extract %slice3A_246[0] : i32 from vector<1xi32>
      %add3A_248 = arith.constant 14 : i32
      %add3A_249 = arith.addi %add3A_24, %add3A_248 : i32
      %dma_start3A_250 = arith.constant 0 : i32
      %dma_start3A_251 = tpu.memref_slice %arg5[%squeeze3A_247, %dma_start3A_250] : memref<16x1024xf32, #tpu.memory_space<vmem>> -> memref<1x1024xf32, #tpu.memory_space<vmem>>
      %dma_start3A_252 = tpu.memref_squeeze %dma_start3A_251 : memref<1x1024xf32, #tpu.memory_space<vmem>> -> memref<1024xf32, #tpu.memory_space<vmem>>
      %dma_start3A_253 = arith.constant 0 : i32
      %dma_start3A_254 = tpu.memref_slice %arg4[%add3A_249, %dma_start3A_253] : memref<8192x1024xf32, #tpu.memory_space<hbm>> -> memref<1x1024xf32, #tpu.memory_space<hbm>>
      %dma_start3A_255 = tpu.memref_squeeze %dma_start3A_254 : memref<1x1024xf32, #tpu.memory_space<hbm>> -> memref<1024xf32, #tpu.memory_space<hbm>>
      %dma_start3A_256 = arith.constant 0 : i32
      %dma_start3A_257 = tpu.memref_slice %arg4[%add3A_249, %dma_start3A_256] : memref<8192x1024xf32, #tpu.memory_space<hbm>> -> memref<1x1024xf32, #tpu.memory_space<hbm>>
      %dma_start3A_258 = tpu.memref_squeeze %dma_start3A_257 : memref<1x1024xf32, #tpu.memory_space<hbm>> -> memref<1024xf32, #tpu.memory_space<hbm>>
      %dma_start3A_259 = arith.constant 0 : i32
      %dma_start3A_260 = tpu.memref_slice %arg5[%squeeze3A_247, %dma_start3A_259] : memref<16x1024xf32, #tpu.memory_space<vmem>> -> memref<1x1024xf32, #tpu.memory_space<vmem>>
      %dma_start3A_261 = tpu.memref_squeeze %dma_start3A_260 : memref<1x1024xf32, #tpu.memory_space<vmem>> -> memref<1024xf32, #tpu.memory_space<vmem>>
      tpu.enqueue_dma source(%dma_start3A_261 : memref<1024xf32, #tpu.memory_space<vmem>>) target(%dma_start3A_258 : memref<1024xf32, #tpu.memory_space<hbm>>) target_semaphore(%arg7 : memref<!tpu.dma_semaphore, #tpu.memory_space<semaphore_mem>>)
      %slice3A_262 = vector.extract_strided_slice %get3A_21 {offsets = [15], sizes = [1], strides = [1]} : vector<16xi32> to vector<1xi32>
      %squeeze3A_263 = vector.extract %slice3A_262[0] : i32 from vector<1xi32>
      %add3A_264 = arith.constant 15 : i32
      %add3A_265 = arith.addi %add3A_24, %add3A_264 : i32
      %dma_start3A_266 = arith.constant 0 : i32
      %dma_start3A_267 = tpu.memref_slice %arg5[%squeeze3A_263, %dma_start3A_266] : memref<16x1024xf32, #tpu.memory_space<vmem>> -> memref<1x1024xf32, #tpu.memory_space<vmem>>
      %dma_start3A_268 = tpu.memref_squeeze %dma_start3A_267 : memref<1x1024xf32, #tpu.memory_space<vmem>> -> memref<1024xf32, #tpu.memory_space<vmem>>
      %dma_start3A_269 = arith.constant 0 : i32
      %dma_start3A_270 = tpu.memref_slice %arg4[%add3A_265, %dma_start3A_269] : memref<8192x1024xf32, #tpu.memory_space<hbm>> -> memref<1x1024xf32, #tpu.memory_space<hbm>>
      %dma_start3A_271 = tpu.memref_squeeze %dma_start3A_270 : memref<1x1024xf32, #tpu.memory_space<hbm>> -> memref<1024xf32, #tpu.memory_space<hbm>>
      %dma_start3A_272 = arith.constant 0 : i32
      %dma_start3A_273 = tpu.memref_slice %arg4[%add3A_265, %dma_start3A_272] : memref<8192x1024xf32, #tpu.memory_space<hbm>> -> memref<1x1024xf32, #tpu.memory_space<hbm>>
      %dma_start3A_274 = tpu.memref_squeeze %dma_start3A_273 : memref<1x1024xf32, #tpu.memory_space<hbm>> -> memref<1024xf32, #tpu.memory_space<hbm>>
      %dma_start3A_275 = arith.constant 0 : i32
      %dma_start3A_276 = tpu.memref_slice %arg5[%squeeze3A_263, %dma_start3A_275] : memref<16x1024xf32, #tpu.memory_space<vmem>> -> memref<1x1024xf32, #tpu.memory_space<vmem>>
      %dma_start3A_277 = tpu.memref_squeeze %dma_start3A_276 : memref<1x1024xf32, #tpu.memory_space<vmem>> -> memref<1024xf32, #tpu.memory_space<vmem>>
      tpu.enqueue_dma source(%dma_start3A_277 : memref<1024xf32, #tpu.memory_space<vmem>>) target(%dma_start3A_274 : memref<1024xf32, #tpu.memory_space<hbm>>) target_semaphore(%arg7 : memref<!tpu.dma_semaphore, #tpu.memory_space<semaphore_mem>>)
      %scan3A_278 = arith.constant 0 : i32
      scf.yield %scan3A_278 : i32
    }
    %scan3A_8 = arith.constant 16 : i32
    %scan3A_9 = arith.constant 0 : i32
    %scan3A_10 = arith.constant 0 : i32
    %scan3A_11 = arith.constant 16 : i32
    %scan3A_12 = arith.addi %scan3A_10, %scan3A_11 : i32
    %scan3A_13 = arith.constant 1 : i32
    %scan3A_14 = scf.for %scan3A_16 = %scan3A_10 to %scan3A_12 step %scan3A_13 iter_args(%scan3A_17 = %scan3A_9) -> (i32)  : i32 {
      %mul3A_18 = arith.constant 16 : i32
      %mul3A_19 = arith.muli %scan3A_16, %mul3A_18 : i32
      %add3A_20 = arith.addi %mul3A_2, %mul3A_19 : i32
      %dma_wait3A = arith.constant 0 : i32
      %dma_wait3A_21 = tpu.memref_slice %arg4[%add3A_20, %dma_wait3A] : memref<8192x1024xf32, #tpu.memory_space<hbm>> -> memref<16x1024xf32, #tpu.memory_space<hbm>>
      %dma_wait3A_22 = arith.constant 0 : i32
      %dma_wait3A_23 = tpu.memref_slice %arg4[%add3A_20, %dma_wait3A_22] : memref<8192x1024xf32, #tpu.memory_space<hbm>> -> memref<16x1024xf32, #tpu.memory_space<hbm>>
      tpu.wait_dma2 semaphore(%arg7 : memref<!tpu.dma_semaphore, #tpu.memory_space<semaphore_mem>>) src(%arg5 : memref<16x1024xf32, #tpu.memory_space<vmem>>) dst(%dma_wait3A_23 : memref<16x1024xf32, #tpu.memory_space<hbm>>)
      %scan3A_24 = arith.constant 0 : i32
      scf.yield %scan3A_24 : i32
    }
    %scan3A_15 = arith.constant 16 : i32
    return
  }
}

module attributes {stable_mosaic.version = 14 : i64} {
  func.func @_tc_body(%arg0: i32, %arg1: memref<2048xi32, #tpu.memory_space<vmem>>, %arg2: memref<16x1024xf32, #tpu.memory_space<vmem>>, %arg3: memref<2048x1024xf32, #tpu.memory_space<vmem>>) attributes {dimension_semantics = [#tpu.dimension_semantics<arbitrary>], iteration_bounds = array<i64: 4>, scalar_prefetch = 0 : i64, scratch_operands = 0 : i64, tpu.core_type = #tpu.core_type<tc>, window_params = [{transform_indices = @transform_0, window_bounds = array<i64: 2048>}, {pipeline_mode = #tpu.pipeline_mode<synchronous>, transform_indices = @transform_1, window_bounds = array<i64: 16, 1024>}, {transform_indices = @transform_2, window_bounds = array<i64: 2048, 1024>}]} {
    %get3A = arith.constant 0 : index
    %get3A_0 = vector.load %arg1[%get3A] : memref<2048xi32, #tpu.memory_space<vmem>>, vector<2048xi32>
    %broadcast_in_dim3A = vector.shape_cast %get3A_0 : vector<2048xi32> to vector<2048x1xi32>
    %iota3A = tpu.iota {dimensions = array<i32: 1>} : vector<2048x16xi32>
    %eq3A = vector.broadcast %broadcast_in_dim3A : vector<2048x1xi32> to vector<2048x16xi32>
    %eq3A_1 = arith.cmpi eq, %eq3A, %iota3A : vector<2048x16xi32>
    %convert_element_type3A = arith.extui %eq3A_1 : vector<2048x16xi1> to vector<2048x16xi32>
    %convert_element_type3A_2 = arith.sitofp %convert_element_type3A : vector<2048x16xi32> to vector<2048x16xf32>
    %get3A_3 = arith.constant 0 : index
    %get3A_4 = arith.constant 0 : index
    %get3A_5 = vector.load %arg2[%get3A_3, %get3A_4] : memref<16x1024xf32, #tpu.memory_space<vmem>>, vector<16x1024xf32>
    %dot_general3A = arith.constant dense<0.000000e+00> : vector<2048x1024xf32>
    %dot_general3A_6 = tpu.matmul %convert_element_type3A_2, %get3A_5, %dot_general3A {dimension_numbers = #tpu.dot_dimension_numbers<[1], [0], [0], [1], [0, 0, 1, 1], [], []>, transpose_lhs_hint = false} : vector<2048x16xf32>, vector<16x1024xf32>, vector<2048x1024xf32> -> vector<2048x1024xf32>
    %swap3A = arith.constant 0 : index
    %swap3A_7 = arith.constant 0 : index
    %swap3A_8 = vector.load %arg3[%swap3A, %swap3A_7] : memref<2048x1024xf32, #tpu.memory_space<vmem>>, vector<2048x1024xf32>
    tpu.vector_store %arg3[%swap3A, %swap3A_7], %dot_general3A_6 {strides = array<i32>} : memref<2048x1024xf32, #tpu.memory_space<vmem>>, vector<2048x1024xf32>,
    return
  }
  func.func @transform_0(%arg0: i32) -> i32 {
    %c0_i32 = arith.constant 0 : i32
    return %arg0 : i32
  }
  func.func @transform_1(%arg0: i32) -> (i32, i32) {
    %c0_i32 = arith.constant 0 : i32
    %c0_i32_0 = arith.constant 0 : i32
    %c0_i32_1 = arith.constant 0 : i32
    return %c0_i32, %c0_i32_0 : i32, i32
  }
  func.func @transform_2(%arg0: i32) -> (i32, i32) {
    %c0_i32 = arith.constant 0 : i32
    %c0_i32_0 = arith.constant 0 : i32
    return %arg0, %c0_i32 : i32, i32
  }
}

</mosaic_0001>

<sc_bundles>
// kernel: kernel.4.cloned.1.call-start
scs
__scs_entry_jumppad:
0x0: {  	(pc) =	sbr.rel $0x88, $3  }
0x1: {  	(tag) =	ssettag $0x0;
	lr =	simm.s32 $0x1  }
0x2: {  	[smem:$0x3F9F] =	sst lr;
	_ =	strace $0xD0000000  }
0x3: {  	_ = 	snop  }
0x4: {  	_ = 	snop  }
0x5: {  	_ = 	snop  }
0x6: {  	_ = 	snop  }
0x7: {  	_ = 	snop  }
__scs_overlays_trampoline_lowered:
0x8: {  	[smem:$0x3FAE] =	sst s0  }
0x9: {  	[smem:$0x3FAF] =	sst s1  }
0xa: {  	[smem:$0x3FB0] =	sst s2  }
0xb: {  	[smem:$0x3FB1] =	sst s3  }
0xc: {  	[smem:$0x3FB2] =	sst s4  }
0xd: {  	[smem:$0x3FB3] =	sst s5  }
0xe: {  	[smem:$0x3FB4] =	sst s6  }
0xf: {  	[smem:$0x3FB5] =	sst s7  }
0x10: {  	[smem:$0x3FB6] =	sst s8  }
0x11: {  	[smem:$0x3FB7] =	sst s9;
	s0 =	simm.s32 @!p0 $0x0  }
0x12: {  	s1 =	sld [smem:$0x3F9D];
	s0 =	simm.s32 @p0 $0x1  }
0x13: {  	[smem:$0x3FB8] =	sst s0;
	s0 =	simm.s32 @!p1 $0x0  }
0x14: {  	s2 =	sld [smem:$0x3F9C];
	s0 =	simm.s32 @p1 $0x1  }
0x15: {  	[smem:$0x3FB9] =	sst s0;
	s0 =	simm.s32 @!p2 $0x0  }
0x16: {  	s3 =	sld [smem:$0x3FDB];
	s0 =	simm.s32 @p2 $0x1  }
0x17: {  	s4 =	simm.s32 $0x1BF5;
	[smem:$0x3FBB] =	sst s0  }
0x18: {  	s0 =	sld [smem:$0x3F9E];
	_ =	swait.ge [sflag:s4], $0x0  }
0x19: {  	s7 =	sld [smem:$0x3F9F]  }
0x1a: {  	s8 =	sadd.s32 $0xFFFFE003, lr  }
0x1b: {  	s9 =	sadd.s32 $0xFFFFFEF7, lr;
	s5 =	simm.s32 $0xFFFFFFFF;
	p2 =	slt.u32 s8, $0xFFFFF086  }
0x1c: {  	p1 =	slt.u32 s9, $0xF7A;
	s5 =	simm.s32 @!p2 $0x0  }
0x1d: {  	s5 =	simm.s32 @p1 $0x1;
	p0 =	seq.s32 s7, s2  }
0x1e: {  	s7 =	smul.u32 @!p0 $0xF7A, s2;
	p2 =	seq.s32 @!p0 s5, $0x0  }
0x1f: {  	s9 =	smul.u32 $0xF7A, s1;
	s8 =	simm.s32 @!p0 $0x1BF5;
	p2 =	por !p2, p0  }
0x20: {  	[sflag:s8] =	ssyncset.s32 @!p0 $0xFFFFF086;
	s6 =	sadd.s32 @!p0 s3, s7;
	s7 =	simm.s32 @!p0 $0x108  }
0x21: {  	s3 =	sadd.s32 s3, s9;
	s6 =	sadd.s32 @!p0 $0x88, s6;
	s7 =	simm.s32 @p2 $0x1082  }
0x22: {  	[simem:s7], [sflag:s8] =	dma.local @!p0 [hbm:s6], $0xF7A  }
0x23: {  	s9 =	sor.u32 $0xD0000000, s2;
	s6 =	simm.s32 $0x108;
	_ =	swait.ge @!p0 [sflag:s8], $0x0  }
0x24: {  	s3 =	sadd.s32 $0x88, s3;
	s6 =	simm.s32 @!p1 $0x1082;
	[sflag:s4] =	ssyncset.s32 $0xFFFFF086  }
0x25: {  	[simem:s6], [sflag:s4] =	dma.local [hbm:s3], $0xF7A  }
0x26: {  	[smem:$0x3F9F] =	sst s1;
	(tag) =	ssettag s2;
	_ =	strace s9  }
0x27: {  	s1 =	sld [smem:$0x3FAF]  }
0x28: {  	s2 =	sld [smem:$0x3FB0]  }
0x29: {  	s4 =	sld [smem:$0x3FB2]  }
0x2a: {  	p0 =	seq.s32 s5, $0x0;
	s5 =	sld [smem:$0x3FB3]  }
0x2b: {  	s6 =	sld [smem:$0x3FB4]  }
0x2c: {  	s7 =	sld [smem:$0x3FB5]  }
0x2d: {  	s3 =	simm.s32 $0x108;
	s8 =	sld [smem:$0x3FB6]  }
0x2e: {  	s3 =	simm.s32 @!p0 $0x1082;
	s9 =	sld [smem:$0x3FB7]  }
0x2f: {  	lr =	sadd.s32 s0, s3;
	s0 =	sld [smem:$0x3FAE]  }
0x30: {  	s3 =	sld [smem:$0x3FB1]  }
0x31: {  	[smem:$0x3FBA] =	sst s10  }
0x32: {  	s10 =	sld [smem:$0x3FB8];
	_ =	sdelay $0x3  }
0x33: {  	p0 =	seq.s32 s10, $0x1;
	s10 =	sld [smem:$0x3FBA];
	_ =	sdelay $0x3  }
0x34: {  	[smem:$0x3FBA] =	sst s10  }
0x35: {  	s10 =	sld [smem:$0x3FB9];
	_ =	sdelay $0x3  }
0x36: {  	p1 =	seq.s32 s10, $0x1;
	s10 =	sld [smem:$0x3FBA];
	_ =	sdelay $0x3  }
0x37: {  	[smem:$0x3FBA] =	sst s10  }
0x38: {  	s10 =	sld [smem:$0x3FBB]  }
0x39: {  	_ = 	snop;
	(pc) =	sbr.ind lr, $3  }
0x3a: {  	_ = 	snop  }
0x3b: {  	_ = 	snop  }
0x3c: {  	p2 =	seq.s32 s10, $0x1;
	s10 =	sld [smem:$0x3FBA]  }
0x3d: {  	_ =	shalt  }
0x3e: {  	_ =	shalt  }
0x3f: {  	_ =	shalt  }
0x40: {  	_ =	shalt  }
0x41: {  	_ =	shalt  }
0x42: {  	_ =	shalt  }
0x43: {  	_ =	shalt  }
0x44: {  	_ =	shalt  }
0x45: {  	_ =	shalt  }
0x46: {  	_ =	shalt  }
0x47: {  	_ =	shalt  }
0x48: {  	_ =	shalt  }
0x49: {  	_ =	shalt  }
0x4a: {  	_ =	shalt  }
0x4b: {  	_ =	shalt  }
0x4c: {  	_ =	shalt  }
0x4d: {  	_ =	shalt  }
0x4e: {  	_ =	shalt  }
0x4f: {  	_ =	shalt  }
0x50: {  	_ =	shalt  }
0x51: {  	_ =	shalt  }
0x52: {  	_ =	shalt  }
0x53: {  	_ =	shalt  }
0x54: {  	_ =	shalt  }
0x55: {  	_ =	shalt  }
0x56: {  	_ =	shalt  }
0x57: {  	_ =	shalt  }
0x58: {  	_ =	shalt  }
0x59: {  	_ =	shalt  }
0x5a: {  	_ =	shalt  }
0x5b: {  	_ =	shalt  }
0x5c: {  	_ =	shalt  }
0x5d: {  	_ =	shalt  }
0x5e: {  	_ =	shalt  }
0x5f: {  	_ =	shalt  }
0x60: {  	_ =	shalt  }
0x61: {  	_ =	shalt  }
0x62: {  	_ =	shalt  }
0x63: {  	_ =	shalt  }
0x64: {  	_ =	shalt  }
0x65: {  	_ =	shalt  }
0x66: {  	_ =	shalt  }
0x67: {  	_ =	shalt  }
0x68: {  	_ =	shalt  }
0x69: {  	_ =	shalt  }
0x6a: {  	_ =	shalt  }
0x6b: {  	_ =	shalt  }
0x6c: {  	_ =	shalt  }
0x6d: {  	_ =	shalt  }
0x6e: {  	_ =	shalt  }
0x6f: {  	_ =	shalt  }
0x70: {  	_ =	shalt  }
0x71: {  	_ =	shalt  }
0x72: {  	_ =	shalt  }
0x73: {  	_ =	shalt  }
0x74: {  	_ =	shalt  }
0x75: {  	_ =	shalt  }
0x76: {  	_ =	shalt  }
0x77: {  	_ =	shalt  }
0x78: {  	_ =	shalt  }
0x79: {  	_ =	shalt  }
0x7a: {  	_ =	shalt  }
0x7b: {  	_ =	shalt  }
0x7c: {  	_ =	shalt  }
0x7d: {  	_ =	shalt  }
0x7e: {  	_ =	shalt  }
0x7f: {  	_ =	shalt  }
0x80: {  	_ =	shalt  }
0x81: {  	_ =	shalt  }
0x82: {  	_ =	shalt  }
0x83: {  	_ =	shalt  }
0x84: {  	_ =	shalt  }
0x85: {  	_ =	shalt  }
0x86: {  	_ =	shalt  }
0x87: {  	_ =	shalt  }
.Lfunc_end0:
.L_simem_size_0:
called_computation_lowered:
.L_overlay_start_0:
0x88: {  	s2 =	sld [smem:$0x3FD9]  }
0x89: {  	s3 =	sld [smem:$0x3FFE];
	_ =	sdelay $0x1  }
0x8a: {  	s1 =	srdreg.scid  }
0x8b: {  	s0 =	sand.u32 $0x1, s1  }
0x8c: {  	s17 =	sshll.u32 s0, $0xA;
	s2 =	sadd.s32 s3, s2  }
0x8d: {  	s2 =	sadd.s32 s2, s17  }
0x8e: {  	[smem:$0x3FC6] =	sst s2  }
0x8f: {  	_ = 	snop  }
0x90: {  	s2 =	sld [smem:$0x3FC8]  }
0x91: {  	s18 =	sld [smem:$0x3FD0];
	(tm) =	ssettm $0x1  }
0x92: {  	s4 =	sld [smem:$0x3FFB];
	_ =	sdelay $0x3  }
0x93: {  	_ =	strace s4  }
0x94: {  	s4 =	sld [smem:$0x3FFC];
	_ =	sdelay $0x3  }
0x95: {  	_ =	strace s4  }
0x96: {  	s4 =	sld [smem:$0x3FFD];
	_ =	sdelay $0x3  }
0x97: {  	_ =	strace s4  }
0x98: {  	_ =	strace $0x8FFFFFFF  }
0x99: {  	s19 =	sld [smem:$0x3FDB];
	_ =	sdelay $0x1  }
0x9a: {  	s5 =	simm.s32 $_scs_section_size  }
0x9b: {  	s6 =	simm.s32 $_size__tile_overlayer_lowered;
	s7 =	simm.s32 $_tile_overlayer_lowered  }
0x9c: {  	s22 =	simm.s32 $0x1BFF;
	s21 =	sshll.u32 s7, $0x1;
	s4 =	sadd.s32 s5, s19  }
0x9d: {  	s8 =	simm.s32 $0x0;
	s20 =	sshll.u32 s6, $0x1;
	s6 =	sadd.s32 s21, s4  }
0x9e: {  	[timem:s8], [sflag:s22] =	dma.local [hbm:s6], s20  }
0x9f: {  	_ =	swait.ge [sflag:s22], s20  }
0xa0: {  	s5 =	ssub.s32 $0x0, s20;
	[sflag:s22] =	ssyncset.done $0x0  }
0xa1: {  	[sflag:s22] =	ssyncadd.s32 s5;
	_ =	sdelay $0x1  }
0xa2: {  	s23 =	simm.s32 $0x1B8B  }
0xa3: {  	_ =	swait.ge [sflag:s23], $0x1  }
0xa4: {  	[sflag:s23] =	ssyncset.done $0x0  }
0xa5: {  	s25 =	simm.s32 $0x1B8E;
	s24 =	sld [smem:$0x3FFE];
	[sflag:s23] =	ssyncadd.s32 $0xFFFFFFFF  }
0xa6: {  	s26 =	simm.s32 $execute0_lowered;
	[smem:$0x3FD2] =	sst s25  }
0xa7: {  	s6 =	sshll.u32 s26, $0x1;
	_ =	strace $0x80000046;
	[dreg:$0x1] =	wrdreg $0xFFFFFFFF  }
0xa8: {  	s28 =	simm.s32 $_size_execute0_lowered;
	s4 =	sadd.s32 s4, s6;
	[dreg:$0x0] =	wrdreg $0x0  }
0xa9: {  	s6 =	sshll.u32 s28, $0x1;
	[dreg:$0x2] =	wrdreg s4  }
0xaa: {  	[dreg:$0x3] =	wrdreg s6  }
0xab: {  	[dreg:$0x4] =	wrdreg $0xC0  }
0xac: {  	_ =	task [dreg:s8], $0x5FFFF  }
0xad: {  	[dreg:$0x1] =	wrdreg $0xFFFFFFFF  }
0xae: {  	[dreg:$0x0] =	wrdreg $0x60  }
0xaf: {  	[dreg:$0x2] =	wrdreg s18  }
0xb0: {  	[dreg:$0x3] =	wrdreg s2  }
0xb1: {  	[dreg:$0x4] =	wrdreg s24  }
0xb2: {  	[dreg:$0x5] =	wrdreg $0x9  }
0xb3: {  	_ =	task.clear_ibuf [dreg:s8], $0x6FFFF;
	_ =	strace $0x90000046  }
0xb4: {  	s29 =	simm.s32 $0x9;
	_ =	strace $0x80000048  }
0xb5: {  	_ =	swait.ge [sflag:s29], $0x1  }
0xb6: {  	[sflag:s29] =	ssyncadd.s32 $0xFFFFFFFF  }
0xb7: {  	_ =	strace $0x90000048  }
0xb8: {  	_ =	sfence  }
0xb9: {  	s30 =	sld [smem:$0x0];
	_ =	sdelay $0x2  }
0xba: {  	s31 =	sshll.u32 s1, $0xD;
	s1 =	sshrl.u32 s1, $0x2  }
0xbb: {  	s3 =	sand.u32 $0x4000, s31;
	s1 =	sadd.s32 s1, s30  }
0xbc: {  	s0 =	sor.u32 s3, s0;
	s1 =	sshll.u32 s1, $0x11  }
0xbd: {  	s0 =	sor.u32 s1, s0  }
0xbe: {  	s0 =	sadd.s32 $0x8F2B, s0  }
0xbf: {  	[sflag:s0] =	ssyncadd.remote.s32 $0x1  }
0xc0: {  	_ =	sfence.sel $0xFFFF  }
0xc1: {  	[dreg:$0x0] =	wrdreg $0xFFFFFFFF;
	(pc) =	sbr.abs _section_cstart, $3  }
0xc2: {  	[dreg:$0x1] =	wrdreg $0xFFFFFFFF  }
0xc3: {  	_ =	task.clear_ibuf [dreg:s8], $0x2FFFF;
	_ =	strace $0x9FFFFFFF  }
0xc4: {  	(tm) =	ssettm $0x7FFFFFFF  }
0xc5: {  	_ =	shalt  }
tec
execute0_lowered:
.L_overlay_start_1:
0x0: {  	(tag) =	ssettag $0x1  }
0x1: {  	s4 =	rddreg [dreg:$0x0]  }
0x2: {  	s2 =	rddreg [dreg:$0x1]  }
0x3: {  	s5 =	rddreg [dreg:$0x2]  }
0x4: {  	s0 =	rddreg [dreg:$0x3]  }
0x5: {  	s3 =	simm.s32 $0x0;
	s1 =	stileid.u32;
	s6 =	srdreg.scid  }
0x6: {  	[smem:$0x7FF] =	sst s3;
	s7 =	sshll.u32 s1, $0x10;
	s6 =	sand.u32 $0x1, s6  }
0x7: {  	s8 =	sshll.u32 s1, $0x9;
	_ =	strace $0x80000047;
	s5 =	sadd.s32 s7, s5  }
0x8: {  	s26 =	ssub.s32 $0x2, s6;
	s9 =	sshll.u32 s6, $0x8;
	s6 =	sshll.u32 s6, $0xF  }
0x9: {  	s7 =	simm.s32 $0x1;
	s8 =	sor.u32 s9, s8;
	s28 =	sshrl.u32 s26, $0x1  }
0xa: {  	s5 =	sadd.s32 s6, s5;
	s6 =	simm.s32 $0x2;
	s29 =	ssub.s32 s26, s28  }
0xb: {  	s30 =	sshrl.u32 s8, $0x3;
	s31 =	sadd.s32 $0x800, s5;
	s8 =	simm.s32 $0x0  }
0xc: {  	s4 =	sadd.s32 s4, s30;
	s5 =	smax.u32 s29, $0x1;
	[dreg:$0x4] =	wrdreg s31  }
.LBB2_1:
0xd: {  	[tilespmem:s3], [sflag:$0x2] =	stream.linear.gather [hbm4b:s2+s3], $0x4000, $0x38;
	[tilespmem:$0x4100] =	vst v63  }
0xe: {  	_ =	swait.ge [sflag:s6], $0x4000  }
0xf: {  	[sflag:s6] =	ssyncset.done $0x0  }
0x10: {  	s9 =	simm.s32 $0x4000;
	[sflag:s6] =	ssyncadd.s32 $0xFFFFC000  }
0x11: {  	[tilespmem:s9], [sflag:$0x2] =	stream.linear.gather [hbm4b:s4+s3], $0x100, $0x38;
	[tilespmem:$0x4100] =	vst v63  }
0x12: {  	_ =	swait.ge [sflag:s6], $0x100  }
0x13: {  	[sflag:s6] =	ssyncset.done $0x0  }
0x14: {  	[sflag:s6] =	ssyncadd.s32 $0xFFFFFF00  }
0x15: {  	v0 =	vld [tilespmem:s9+$0x0];
	_ =	sdelay $0x4  }
0x16: {  	(v2sf) =	vpush v0, $0x0;
	_ =	sdelay $0x8  }
0x17: {  	(v2sf) =	vpush v0, $0x1;
	_ =	sdelay $0x5  }
0x18: {  	s10 =	spop (v2sf)  }
0x19: {  	s11 =	sshll.u32 s10, $0xA;
	s10 =	sshll.u32 s10, $0x7  }
0x1a: {  	s22 =	rddreg [dreg:$0x4];
	s11 =	sand.u32 $0xFFFFE000, s11;
	s12 =	sand.u32 $0x380, s10  }
0x1b: {  	s10 =	sadd.s32 $0x0, s22;
	s23 =	sor.u32 s12, s11  }
0x1c: {  	[hbm4b:s10+s3] =	stream.linear.scatter [tilespmem:s23], [sflag:$0x1], $0x80, $0x38;
	[tilespmem:$0x4100] =	vst v63  }
0x1d: {  	s24 =	sadd.s32 $0x80, s10;
	s12 =	sor.u32 $0x400, s23  }
0x1e: {  	[hbm4b:s24+s3] =	stream.linear.scatter [tilespmem:s12], [sflag:$0x1], $0x80, $0x38;
	[tilespmem:$0x4100] =	vst v63  }
0x1f: {  	s26 =	sadd.s32 $0x100, s10;
	s25 =	sor.u32 $0x800, s23  }
0x20: {  	[hbm4b:s26+s3] =	stream.linear.scatter [tilespmem:s25], [sflag:$0x1], $0x80, $0x38;
	[tilespmem:$0x4100] =	vst v63  }
0x21: {  	s28 =	spop (v2sf);
	s13 =	sadd.s32 $0x180, s10;
	s29 =	sor.u32 $0xC00, s23  }
0x22: {  	(v2sf) =	vpush v0, $0x2;
	[hbm4b:s13+s3] =	stream.linear.scatter [tilespmem:s29], [sflag:$0x1], $0x80, $0x38;
	[tilespmem:$0x4100] =	vst v63  }
0x23: {  	s30 =	sshll.u32 s28, $0xA;
	s14 =	sadd.s32 $0x200, s10;
	s31 =	sor.u32 $0x1000, s23  }
0x24: {  	[hbm4b:s14+s3] =	stream.linear.scatter [tilespmem:s31], [sflag:$0x1], $0x80, $0x38;
	[tilespmem:$0x4100] =	vst v63  }
0x25: {  	s11 =	sshll.u32 s28, $0x7;
	s16 =	sadd.s32 $0x280, s10;
	s15 =	sor.u32 $0x1400, s23  }
0x26: {  	[hbm4b:s16+s3] =	stream.linear.scatter [tilespmem:s15], [sflag:$0x1], $0x80, $0x38;
	[tilespmem:$0x4100] =	vst v63  }
0x27: {  	s18 =	sadd.s32 $0x300, s10;
	s19 =	sadd.s32 $0x380, s10;
	s17 =	sor.u32 $0x1800, s23  }
0x28: {  	[hbm4b:s18+s3] =	stream.linear.scatter [tilespmem:s17], [sflag:$0x1], $0x80, $0x38;
	[tilespmem:$0x4100] =	vst v63  }
0x29: {  	s11 =	sand.u32 $0x380, s11;
	s9 =	sor.u32 $0x1C00, s23;
	s12 =	sand.u32 $0xFFFFE000, s30  }
0x2a: {  	[hbm4b:s19+s3] =	stream.linear.scatter [tilespmem:s9], [sflag:$0x1], $0x80, $0x38;
	[tilespmem:$0x4100] =	vst v63  }
0x2b: {  	s20 =	sadd.s32 $0x10, s10;
	s11 =	sor.u32 s11, s12  }
0x2c: {  	[hbm4b:s20+s3] =	stream.linear.scatter [tilespmem:s11], [sflag:$0x1], $0x80, $0x38;
	[tilespmem:$0x4100] =	vst v63  }
0x2d: {  	s22 =	sadd.s32 $0x90, s10;
	s21 =	sor.u32 $0x400, s11  }
0x2e: {  	[hbm4b:s22+s3] =	stream.linear.scatter [tilespmem:s21], [sflag:$0x1], $0x80, $0x38;
	[tilespmem:$0x4100] =	vst v63  }
0x2f: {  	s24 =	sadd.s32 $0x110, s10;
	s23 =	sor.u32 $0x800, s11  }
0x30: {  	[hbm4b:s24+s3] =	stream.linear.scatter [tilespmem:s23], [sflag:$0x1], $0x80, $0x38;
	[tilespmem:$0x4100] =	vst v63  }
0x31: {  	s28 =	sadd.s32 $0x190, s10;
	s26 =	sor.u32 $0xC00, s11;
	s25 =	spop (v2sf)  }
0x32: {  	(v2sf) =	vpush v0, $0x3;
	[hbm4b:s28+s3] =	stream.linear.scatter [tilespmem:s26], [sflag:$0x1], $0x80, $0x38;
	[tilespmem:$0x4100] =	vst v63  }
0x33: {  	s30 =	sor.u32 $0x1000, s11;
	s31 =	sadd.s32 $0x210, s10;
	s15 =	sor.u32 $0x1400, s11  }
0x34: {  	[hbm4b:s31+s3] =	stream.linear.scatter [tilespmem:s30], [sflag:$0x1], $0x80, $0x38;
	[tilespmem:$0x4100] =	vst v63  }
0x35: {  	s16 =	sadd.s32 $0x290, s10;
	s29 =	sshll.u32 s25, $0xA;
	s17 =	sor.u32 $0x1800, s11  }
0x36: {  	[hbm4b:s16+s3] =	stream.linear.scatter [tilespmem:s15], [sflag:$0x1], $0x80, $0x38;
	[tilespmem:$0x4100] =	vst v63  }
0x37: {  	s18 =	sadd.s32 $0x310, s10;
	s12 =	sand.u32 $0xFFFFE000, s29;
	s9 =	sshll.u32 s25, $0x7  }
0x38: {  	[hbm4b:s18+s3] =	stream.linear.scatter [tilespmem:s17], [sflag:$0x1], $0x80, $0x38;
	[tilespmem:$0x4100] =	vst v63  }
0x39: {  	s19 =	sadd.s32 $0x390, s10;
	s9 =	sand.u32 $0x380, s9;
	s11 =	sor.u32 $0x1C00, s11  }
0x3a: {  	[hbm4b:s19+s3] =	stream.linear.scatter [tilespmem:s11], [sflag:$0x1], $0x80, $0x38;
	[tilespmem:$0x4100] =	vst v63  }
0x3b: {  	s20 =	sadd.s32 $0x20, s10;
	s9 =	sor.u32 s9, s12  }
0x3c: {  	[hbm4b:s20+s3] =	stream.linear.scatter [tilespmem:s9], [sflag:$0x1], $0x80, $0x38;
	[tilespmem:$0x4100] =	vst v63  }
0x3d: {  	s21 =	sor.u32 $0x400, s9;
	s22 =	sadd.s32 $0xA0, s10  }
0x3e: {  	[hbm4b:s22+s3] =	stream.linear.scatter [tilespmem:s21], [sflag:$0x1], $0x80, $0x38;
	[tilespmem:$0x4100] =	vst v63  }
0x3f: {  	s23 =	sor.u32 $0x800, s9;
	s24 =	sadd.s32 $0x120, s10  }
0x40: {  	[hbm4b:s24+s3] =	stream.linear.scatter [tilespmem:s23], [sflag:$0x1], $0x80, $0x38;
	[tilespmem:$0x4100] =	vst v63  }
0x41: {  	s26 =	sor.u32 $0xC00, s9;
	s28 =	sadd.s32 $0x1A0, s10;
	s25 =	spop (v2sf)  }
0x42: {  	(v2sf) =	vpush v0, $0x4;
	[hbm4b:s28+s3] =	stream.linear.scatter [tilespmem:s26], [sflag:$0x1], $0x80, $0x38;
	[tilespmem:$0x4100] =	vst v63  }
0x43: {  	s14 =	sor.u32 $0x1400, s9;
	s30 =	sor.u32 $0x1000, s9;
	s31 =	sadd.s32 $0x220, s10  }
0x44: {  	[hbm4b:s31+s3] =	stream.linear.scatter [tilespmem:s30], [sflag:$0x1], $0x80, $0x38;
	[tilespmem:$0x4100] =	vst v63  }
0x45: {  	s15 =	sadd.s32 $0x2A0, s10;
	s16 =	sor.u32 $0x1800, s9;
	s29 =	sshll.u32 s25, $0xA  }
0x46: {  	[hbm4b:s15+s3] =	stream.linear.scatter [tilespmem:s14], [sflag:$0x1], $0x80, $0x38;
	[tilespmem:$0x4100] =	vst v63  }
0x47: {  	s12 =	sand.u32 $0xFFFFE000, s29;
	s17 =	sadd.s32 $0x320, s10;
	s11 =	sshll.u32 s25, $0x7  }
0x48: {  	[hbm4b:s17+s3] =	stream.linear.scatter [tilespmem:s16], [sflag:$0x1], $0x80, $0x38;
	[tilespmem:$0x4100] =	vst v63  }
0x49: {  	s18 =	sadd.s32 $0x3A0, s10;
	s11 =	sand.u32 $0x380, s11;
	s9 =	sor.u32 $0x1C00, s9  }
0x4a: {  	[hbm4b:s18+s3] =	stream.linear.scatter [tilespmem:s9], [sflag:$0x1], $0x80, $0x38;
	[tilespmem:$0x4100] =	vst v63  }
0x4b: {  	s19 =	sor.u32 s11, s12;
	s20 =	sadd.s32 $0x30, s10  }
0x4c: {  	[hbm4b:s20+s3] =	stream.linear.scatter [tilespmem:s19], [sflag:$0x1], $0x80, $0x38;
	[tilespmem:$0x4100] =	vst v63  }
0x4d: {  	s21 =	sor.u32 $0x400, s19;
	s22 =	sadd.s32 $0xB0, s10  }
0x4e: {  	[hbm4b:s22+s3] =	stream.linear.scatter [tilespmem:s21], [sflag:$0x1], $0x80, $0x38;
	[tilespmem:$0x4100] =	vst v63  }
0x4f: {  	s23 =	sor.u32 $0x800, s19;
	s24 =	sadd.s32 $0x130, s10  }
0x50: {  	[hbm4b:s24+s3] =	stream.linear.scatter [tilespmem:s23], [sflag:$0x1], $0x80, $0x38;
	[tilespmem:$0x4100] =	vst v63  }
0x51: {  	s26 =	sor.u32 $0xC00, s19;
	s28 =	sadd.s32 $0x1B0, s10;
	s25 =	spop (v2sf)  }
0x52: {  	(v2sf) =	vpush v0, $0x5;
	[hbm4b:s28+s3] =	stream.linear.scatter [tilespmem:s26], [sflag:$0x1], $0x80, $0x38;
	[tilespmem:$0x4100] =	vst v63  }
0x53: {  	s30 =	sor.u32 $0x1000, s19;
	s31 =	sadd.s32 $0x230, s10;
	s29 =	sshll.u32 s25, $0xA  }
0x54: {  	[hbm4b:s31+s3] =	stream.linear.scatter [tilespmem:s30], [sflag:$0x1], $0x80, $0x38;
	[tilespmem:$0x4100] =	vst v63  }
0x55: {  	s14 =	sor.u32 $0x1400, s19;
	s15 =	sadd.s32 $0x2B0, s10;
	s11 =	sshll.u32 s25, $0x7  }
0x56: {  	[hbm4b:s15+s3] =	stream.linear.scatter [tilespmem:s14], [sflag:$0x1], $0x80, $0x38;
	[tilespmem:$0x4100] =	vst v63  }
0x57: {  	s12 =	sand.u32 $0xFFFFE000, s29;
	s16 =	sor.u32 $0x1800, s19;
	s17 =	sadd.s32 $0x330, s10  }
0x58: {  	[hbm4b:s17+s3] =	stream.linear.scatter [tilespmem:s16], [sflag:$0x1], $0x80, $0x38;
	[tilespmem:$0x4100] =	vst v63  }
0x59: {  	s11 =	sand.u32 $0x380, s11;
	s9 =	sor.u32 $0x1C00, s19;
	s18 =	sadd.s32 $0x3B0, s10  }
0x5a: {  	[hbm4b:s18+s3] =	stream.linear.scatter [tilespmem:s9], [sflag:$0x1], $0x80, $0x38;
	[tilespmem:$0x4100] =	vst v63  }
0x5b: {  	s19 =	sor.u32 s11, s12;
	s20 =	sadd.s32 $0x40, s10  }
0x5c: {  	[hbm4b:s20+s3] =	stream.linear.scatter [tilespmem:s19], [sflag:$0x1], $0x80, $0x38;
	[tilespmem:$0x4100] =	vst v63  }
0x5d: {  	s21 =	sor.u32 $0x400, s19;
	s22 =	sadd.s32 $0xC0, s10  }
0x5e: {  	[hbm4b:s22+s3] =	stream.linear.scatter [tilespmem:s21], [sflag:$0x1], $0x80, $0x38;
	[tilespmem:$0x4100] =	vst v63  }
0x5f: {  	s23 =	sor.u32 $0x800, s19;
	s24 =	sadd.s32 $0x140, s10  }
0x60: {  	[hbm4b:s24+s3] =	stream.linear.scatter [tilespmem:s23], [sflag:$0x1], $0x80, $0x38;
	[tilespmem:$0x4100] =	vst v63  }
0x61: {  	s26 =	sor.u32 $0xC00, s19;
	s28 =	sadd.s32 $0x1C0, s10;
	s25 =	spop (v2sf)  }
0x62: {  	(v2sf) =	vpush v0, $0x6;
	[hbm4b:s28+s3] =	stream.linear.scatter [tilespmem:s26], [sflag:$0x1], $0x80, $0x38;
	[tilespmem:$0x4100] =	vst v63  }
0x63: {  	s30 =	sor.u32 $0x1000, s19;
	s31 =	sadd.s32 $0x240, s10;
	s29 =	sshll.u32 s25, $0xA  }
0x64: {  	[hbm4b:s31+s3] =	stream.linear.scatter [tilespmem:s30], [sflag:$0x1], $0x80, $0x38;
	[tilespmem:$0x4100] =	vst v63  }
0x65: {  	s11 =	sshll.u32 s25, $0x7;
	s14 =	sor.u32 $0x1400, s19;
	s15 =	sadd.s32 $0x2C0, s10  }
0x66: {  	[hbm4b:s15+s3] =	stream.linear.scatter [tilespmem:s14], [sflag:$0x1], $0x80, $0x38;
	[tilespmem:$0x4100] =	vst v63  }
0x67: {  	s12 =	sand.u32 $0xFFFFE000, s29;
	s16 =	sor.u32 $0x1800, s19;
	s17 =	sadd.s32 $0x340, s10  }
0x68: {  	[hbm4b:s17+s3] =	stream.linear.scatter [tilespmem:s16], [sflag:$0x1], $0x80, $0x38;
	[tilespmem:$0x4100] =	vst v63  }
0x69: {  	s11 =	sand.u32 $0x380, s11;
	s9 =	sor.u32 $0x1C00, s19;
	s18 =	sadd.s32 $0x3C0, s10  }
0x6a: {  	[hbm4b:s18+s3] =	stream.linear.scatter [tilespmem:s9], [sflag:$0x1], $0x80, $0x38;
	[tilespmem:$0x4100] =	vst v63  }
0x6b: {  	s19 =	sor.u32 s11, s12;
	s20 =	sadd.s32 $0x50, s10  }
0x6c: {  	[hbm4b:s20+s3] =	stream.linear.scatter [tilespmem:s19], [sflag:$0x1], $0x80, $0x38;
	[tilespmem:$0x4100] =	vst v63  }
0x6d: {  	s21 =	sor.u32 $0x400, s19;
	s22 =	sadd.s32 $0xD0, s10  }
0x6e: {  	[hbm4b:s22+s3] =	stream.linear.scatter [tilespmem:s21], [sflag:$0x1], $0x80, $0x38;
	[tilespmem:$0x4100] =	vst v63  }
0x6f: {  	s23 =	sor.u32 $0x800, s19;
	s24 =	sadd.s32 $0x150, s10  }
0x70: {  	[hbm4b:s24+s3] =	stream.linear.scatter [tilespmem:s23], [sflag:$0x1], $0x80, $0x38;
	[tilespmem:$0x4100] =	vst v63  }
0x71: {  	s26 =	sor.u32 $0xC00, s19;
	s28 =	sadd.s32 $0x1D0, s10;
	s25 =	spop (v2sf)  }
0x72: {  	(v2sf) =	vpush v0, $0x7;
	[hbm4b:s28+s3] =	stream.linear.scatter [tilespmem:s26], [sflag:$0x1], $0x80, $0x38;
	[tilespmem:$0x4100] =	vst v63  }
0x73: {  	s29 =	sshll.u32 s25, $0xA;
	s30 =	sor.u32 $0x1000, s19;
	s31 =	sadd.s32 $0x250, s10  }
0x74: {  	[hbm4b:s31+s3] =	stream.linear.scatter [tilespmem:s30], [sflag:$0x1], $0x80, $0x38;
	[tilespmem:$0x4100] =	vst v63  }
0x75: {  	s11 =	sshll.u32 s25, $0x7;
	s14 =	sor.u32 $0x1400, s19;
	s15 =	sadd.s32 $0x2D0, s10  }
0x76: {  	[hbm4b:s15+s3] =	stream.linear.scatter [tilespmem:s14], [sflag:$0x1], $0x80, $0x38;
	[tilespmem:$0x4100] =	vst v63  }
0x77: {  	s12 =	sand.u32 $0xFFFFE000, s29;
	s16 =	sor.u32 $0x1800, s19;
	s17 =	sadd.s32 $0x350, s10  }
0x78: {  	[hbm4b:s17+s3] =	stream.linear.scatter [tilespmem:s16], [sflag:$0x1], $0x80, $0x38;
	[tilespmem:$0x4100] =	vst v63  }
0x79: {  	s11 =	sand.u32 $0x380, s11;
	s9 =	sor.u32 $0x1C00, s19;
	s18 =	sadd.s32 $0x3D0, s10  }
0x7a: {  	[hbm4b:s18+s3] =	stream.linear.scatter [tilespmem:s9], [sflag:$0x1], $0x80, $0x38;
	[tilespmem:$0x4100] =	vst v63  }
0x7b: {  	s19 =	sor.u32 s11, s12;
	s20 =	sadd.s32 $0x60, s10  }
0x7c: {  	[hbm4b:s20+s3] =	stream.linear.scatter [tilespmem:s19], [sflag:$0x1], $0x80, $0x38;
	[tilespmem:$0x4100] =	vst v63  }
0x7d: {  	s21 =	sor.u32 $0x400, s19;
	s22 =	sadd.s32 $0xE0, s10  }
0x7e: {  	[hbm4b:s22+s3] =	stream.linear.scatter [tilespmem:s21], [sflag:$0x1], $0x80, $0x38;
	[tilespmem:$0x4100] =	vst v63  }
0x7f: {  	s23 =	sor.u32 $0x800, s19;
	s24 =	sadd.s32 $0x160, s10  }
0x80: {  	[hbm4b:s24+s3] =	stream.linear.scatter [tilespmem:s23], [sflag:$0x1], $0x80, $0x38;
	[tilespmem:$0x4100] =	vst v63  }
0x81: {  	s25 =	spop (v2sf);
	s26 =	sor.u32 $0xC00, s19;
	s28 =	sadd.s32 $0x1E0, s10  }
0x82: {  	(v2sf) =	vpush v0, $0x8;
	[hbm4b:s28+s3] =	stream.linear.scatter [tilespmem:s26], [sflag:$0x1], $0x80, $0x38;
	[tilespmem:$0x4100] =	vst v63  }
0x83: {  	s29 =	sshll.u32 s25, $0xA;
	s30 =	sor.u32 $0x1000, s19;
	s31 =	sadd.s32 $0x260, s10  }
0x84: {  	[hbm4b:s31+s3] =	stream.linear.scatter [tilespmem:s30], [sflag:$0x1], $0x80, $0x38;
	[tilespmem:$0x4100] =	vst v63  }
0x85: {  	s11 =	sshll.u32 s25, $0x7;
	s14 =	sor.u32 $0x1400, s19;
	s15 =	sadd.s32 $0x2E0, s10  }
0x86: {  	[hbm4b:s15+s3] =	stream.linear.scatter [tilespmem:s14], [sflag:$0x1], $0x80, $0x38;
	[tilespmem:$0x4100] =	vst v63  }
0x87: {  	s12 =	sand.u32 $0xFFFFE000, s29;
	s16 =	sor.u32 $0x1800, s19;
	s17 =	sadd.s32 $0x360, s10  }
0x88: {  	[hbm4b:s17+s3] =	stream.linear.scatter [tilespmem:s16], [sflag:$0x1], $0x80, $0x38;
	[tilespmem:$0x4100] =	vst v63  }
0x89: {  	s11 =	sand.u32 $0x380, s11;
	s9 =	sor.u32 $0x1C00, s19;
	s18 =	sadd.s32 $0x3E0, s10  }
0x8a: {  	[hbm4b:s18+s3] =	stream.linear.scatter [tilespmem:s9], [sflag:$0x1], $0x80, $0x38;
	[tilespmem:$0x4100] =	vst v63  }
0x8b: {  	s19 =	sor.u32 s11, s12;
	s20 =	sadd.s32 $0x70, s10  }
0x8c: {  	[hbm4b:s20+s3] =	stream.linear.scatter [tilespmem:s19], [sflag:$0x1], $0x80, $0x38;
	[tilespmem:$0x4100] =	vst v63  }
0x8d: {  	s21 =	sor.u32 $0x400, s19;
	s22 =	sadd.s32 $0xF0, s10  }
0x8e: {  	[hbm4b:s22+s3] =	stream.linear.scatter [tilespmem:s21], [sflag:$0x1], $0x80, $0x38;
	[tilespmem:$0x4100] =	vst v63  }
0x8f: {  	s23 =	sor.u32 $0x800, s19;
	s24 =	sadd.s32 $0x170, s10  }
0x90: {  	[hbm4b:s24+s3] =	stream.linear.scatter [tilespmem:s23], [sflag:$0x1], $0x80, $0x38;
	[tilespmem:$0x4100] =	vst v63  }
0x91: {  	s25 =	spop (v2sf);
	s26 =	sor.u32 $0xC00, s19;
	s28 =	sadd.s32 $0x1F0, s10  }
0x92: {  	(v2sf) =	vpush v0, $0x9;
	[hbm4b:s28+s3] =	stream.linear.scatter [tilespmem:s26], [sflag:$0x1], $0x80, $0x38;
	[tilespmem:$0x4100] =	vst v63  }
0x93: {  	s29 =	sshll.u32 s25, $0xA;
	s30 =	sor.u32 $0x1000, s19;
	s31 =	sadd.s32 $0x270, s10  }
0x94: {  	[hbm4b:s31+s3] =	stream.linear.scatter [tilespmem:s30], [sflag:$0x1], $0x80, $0x38;
	[tilespmem:$0x4100] =	vst v63  }
0x95: {  	s11 =	sshll.u32 s25, $0x7;
	s15 =	sor.u32 $0x1400, s19;
	s16 =	sadd.s32 $0x2F0, s10  }
0x96: {  	[hbm4b:s16+s3] =	stream.linear.scatter [tilespmem:s15], [sflag:$0x1], $0x80, $0x38;
	[tilespmem:$0x4100] =	vst v63  }
0x97: {  	s12 =	sand.u32 $0xFFFFE000, s29;
	s17 =	sor.u32 $0x1800, s19;
	s18 =	sadd.s32 $0x370, s10  }
0x98: {  	[hbm4b:s18+s3] =	stream.linear.scatter [tilespmem:s17], [sflag:$0x1], $0x80, $0x38;
	[tilespmem:$0x4100] =	vst v63  }
0x99: {  	s11 =	sand.u32 $0x380, s11;
	s9 =	sor.u32 $0x1C00, s19;
	s19 =	sadd.s32 $0x3F0, s10  }
0x9a: {  	[hbm4b:s19+s3] =	stream.linear.scatter [tilespmem:s9], [sflag:$0x1], $0x80, $0x38;
	[tilespmem:$0x4100] =	vst v63  }
0x9b: {  	s11 =	sor.u32 s11, s12;
	s20 =	sadd.s32 $0x400, s10  }
0x9c: {  	[hbm4b:s20+s3] =	stream.linear.scatter [tilespmem:s11], [sflag:$0x1], $0x80, $0x38;
	[tilespmem:$0x4100] =	vst v63  }
0x9d: {  	s21 =	sor.u32 $0x400, s11;
	s22 =	sadd.s32 $0x480, s10  }
0x9e: {  	[hbm4b:s22+s3] =	stream.linear.scatter [tilespmem:s21], [sflag:$0x1], $0x80, $0x38;
	[tilespmem:$0x4100] =	vst v63  }
0x9f: {  	s23 =	sor.u32 $0x800, s11;
	s24 =	sadd.s32 $0x500, s10  }
0xa0: {  	[hbm4b:s24+s3] =	stream.linear.scatter [tilespmem:s23], [sflag:$0x1], $0x80, $0x38;
	[tilespmem:$0x4100] =	vst v63  }
0xa1: {  	s25 =	spop (v2sf);
	s26 =	sor.u32 $0xC00, s11;
	s28 =	sadd.s32 $0x580, s10  }
0xa2: {  	(v2sf) =	vpush v0, $0xA;
	[hbm4b:s28+s3] =	stream.linear.scatter [tilespmem:s26], [sflag:$0x1], $0x80, $0x38;
	[tilespmem:$0x4100] =	vst v63  }
0xa3: {  	s29 =	sshll.u32 s25, $0xA;
	s30 =	sor.u32 $0x1000, s11;
	s31 =	sadd.s32 $0x600, s10  }
0xa4: {  	[hbm4b:s31+s3] =	stream.linear.scatter [tilespmem:s30], [sflag:$0x1], $0x80, $0x38;
	[tilespmem:$0x4100] =	vst v63  }
0xa5: {  	s12 =	sand.u32 $0xFFFFE000, s29;
	s15 =	sor.u32 $0x1400, s11;
	s16 =	sadd.s32 $0x680, s10  }
0xa6: {  	[hbm4b:s16+s3] =	stream.linear.scatter [tilespmem:s15], [sflag:$0x1], $0x80, $0x38;
	[tilespmem:$0x4100] =	vst v63  }
0xa7: {  	s17 =	sor.u32 $0x1800, s11;
	s18 =	sadd.s32 $0x700, s10;
	s9 =	sshll.u32 s25, $0x7  }
0xa8: {  	[hbm4b:s18+s3] =	stream.linear.scatter [tilespmem:s17], [sflag:$0x1], $0x80, $0x38;
	[tilespmem:$0x4100] =	vst v63  }
0xa9: {  	s19 =	sadd.s32 $0x780, s10;
	s9 =	sand.u32 $0x380, s9;
	s11 =	sor.u32 $0x1C00, s11  }
0xaa: {  	[hbm4b:s19+s3] =	stream.linear.scatter [tilespmem:s11], [sflag:$0x1], $0x80, $0x38;
	[tilespmem:$0x4100] =	vst v63  }
0xab: {  	s20 =	sadd.s32 $0x410, s10;
	s9 =	sor.u32 s9, s12  }
0xac: {  	[hbm4b:s20+s3] =	stream.linear.scatter [tilespmem:s9], [sflag:$0x1], $0x80, $0x38;
	[tilespmem:$0x4100] =	vst v63  }
0xad: {  	s21 =	sor.u32 $0x400, s9;
	s22 =	sadd.s32 $0x490, s10  }
0xae: {  	[hbm4b:s22+s3] =	stream.linear.scatter [tilespmem:s21], [sflag:$0x1], $0x80, $0x38;
	[tilespmem:$0x4100] =	vst v63  }
0xaf: {  	s23 =	sor.u32 $0x800, s9;
	s24 =	sadd.s32 $0x510, s10  }
0xb0: {  	[hbm4b:s24+s3] =	stream.linear.scatter [tilespmem:s23], [sflag:$0x1], $0x80, $0x38;
	[tilespmem:$0x4100] =	vst v63  }
0xb1: {  	s25 =	spop (v2sf);
	s26 =	sor.u32 $0xC00, s9;
	s28 =	sadd.s32 $0x590, s10  }
0xb2: {  	(v2sf) =	vpush v0, $0xB;
	[hbm4b:s28+s3] =	stream.linear.scatter [tilespmem:s26], [sflag:$0x1], $0x80, $0x38;
	[tilespmem:$0x4100] =	vst v63  }
0xb3: {  	s29 =	sshll.u32 s25, $0xA;
	s30 =	sor.u32 $0x1000, s9;
	s31 =	sadd.s32 $0x610, s10  }
0xb4: {  	[hbm4b:s31+s3] =	stream.linear.scatter [tilespmem:s30], [sflag:$0x1], $0x80, $0x38;
	[tilespmem:$0x4100] =	vst v63  }
0xb5: {  	s14 =	sor.u32 $0x1400, s9;
	s12 =	sand.u32 $0xFFFFE000, s29;
	s15 =	sadd.s32 $0x690, s10  }
0xb6: {  	[hbm4b:s15+s3] =	stream.linear.scatter [tilespmem:s14], [sflag:$0x1], $0x80, $0x38;
	[tilespmem:$0x4100] =	vst v63  }
0xb7: {  	s16 =	sor.u32 $0x1800, s9;
	s17 =	sadd.s32 $0x710, s10;
	s11 =	sshll.u32 s25, $0x7  }
0xb8: {  	[hbm4b:s17+s3] =	stream.linear.scatter [tilespmem:s16], [sflag:$0x1], $0x80, $0x38;
	[tilespmem:$0x4100] =	vst v63  }
0xb9: {  	s18 =	sadd.s32 $0x790, s10;
	s11 =	sand.u32 $0x380, s11;
	s9 =	sor.u32 $0x1C00, s9  }
0xba: {  	[hbm4b:s18+s3] =	stream.linear.scatter [tilespmem:s9], [sflag:$0x1], $0x80, $0x38;
	[tilespmem:$0x4100] =	vst v63  }
0xbb: {  	s19 =	sor.u32 s11, s12;
	s20 =	sadd.s32 $0x420, s10  }
0xbc: {  	[hbm4b:s20+s3] =	stream.linear.scatter [tilespmem:s19], [sflag:$0x1], $0x80, $0x38;
	[tilespmem:$0x4100] =	vst v63  }
0xbd: {  	s21 =	sor.u32 $0x400, s19;
	s22 =	sadd.s32 $0x4A0, s10  }
0xbe: {  	[hbm4b:s22+s3] =	stream.linear.scatter [tilespmem:s21], [sflag:$0x1], $0x80, $0x38;
	[tilespmem:$0x4100] =	vst v63  }
0xbf: {  	s23 =	sor.u32 $0x800, s19;
	s24 =	sadd.s32 $0x520, s10  }
0xc0: {  	[hbm4b:s24+s3] =	stream.linear.scatter [tilespmem:s23], [sflag:$0x1], $0x80, $0x38;
	[tilespmem:$0x4100] =	vst v63  }
0xc1: {  	s25 =	spop (v2sf);
	s26 =	sor.u32 $0xC00, s19;
	s28 =	sadd.s32 $0x5A0, s10  }
0xc2: {  	(v2sf) =	vpush v0, $0xC;
	[hbm4b:s28+s3] =	stream.linear.scatter [tilespmem:s26], [sflag:$0x1], $0x80, $0x38;
	[tilespmem:$0x4100] =	vst v63  }
0xc3: {  	s29 =	sshll.u32 s25, $0xA;
	s30 =	sor.u32 $0x1000, s19;
	s31 =	sadd.s32 $0x620, s10  }
0xc4: {  	[hbm4b:s31+s3] =	stream.linear.scatter [tilespmem:s30], [sflag:$0x1], $0x80, $0x38;
	[tilespmem:$0x4100] =	vst v63  }
0xc5: {  	s11 =	sshll.u32 s25, $0x7;
	s14 =	sor.u32 $0x1400, s19;
	s15 =	sadd.s32 $0x6A0, s10  }
0xc6: {  	[hbm4b:s15+s3] =	stream.linear.scatter [tilespmem:s14], [sflag:$0x1], $0x80, $0x38;
	[tilespmem:$0x4100] =	vst v63  }
0xc7: {  	s12 =	sand.u32 $0xFFFFE000, s29;
	s16 =	sor.u32 $0x1800, s19;
	s17 =	sadd.s32 $0x720, s10  }
0xc8: {  	[hbm4b:s17+s3] =	stream.linear.scatter [tilespmem:s16], [sflag:$0x1], $0x80, $0x38;
	[tilespmem:$0x4100] =	vst v63  }
0xc9: {  	s11 =	sand.u32 $0x380, s11;
	s9 =	sor.u32 $0x1C00, s19;
	s18 =	sadd.s32 $0x7A0, s10  }
0xca: {  	[hbm4b:s18+s3] =	stream.linear.scatter [tilespmem:s9], [sflag:$0x1], $0x80, $0x38;
	[tilespmem:$0x4100] =	vst v63  }
0xcb: {  	s19 =	sor.u32 s11, s12;
	s20 =	sadd.s32 $0x430, s10  }
0xcc: {  	[hbm4b:s20+s3] =	stream.linear.scatter [tilespmem:s19], [sflag:$0x1], $0x80, $0x38;
	[tilespmem:$0x4100] =	vst v63  }
0xcd: {  	s21 =	sor.u32 $0x400, s19;
	s22 =	sadd.s32 $0x4B0, s10  }
0xce: {  	[hbm4b:s22+s3] =	stream.linear.scatter [tilespmem:s21], [sflag:$0x1], $0x80, $0x38;
	[tilespmem:$0x4100] =	vst v63  }
0xcf: {  	s23 =	sor.u32 $0x800, s19;
	s24 =	sadd.s32 $0x530, s10  }
0xd0: {  	[hbm4b:s24+s3] =	stream.linear.scatter [tilespmem:s23], [sflag:$0x1], $0x80, $0x38;
	[tilespmem:$0x4100] =	vst v63  }
0xd1: {  	s25 =	spop (v2sf);
	s26 =	sor.u32 $0xC00, s19;
	s28 =	sadd.s32 $0x5B0, s10  }
0xd2: {  	(v2sf) =	vpush v0, $0xD;
	[hbm4b:s28+s3] =	stream.linear.scatter [tilespmem:s26], [sflag:$0x1], $0x80, $0x38;
	[tilespmem:$0x4100] =	vst v63  }
0xd3: {  	s29 =	sshll.u32 s25, $0xA;
	s30 =	sor.u32 $0x1000, s19;
	s31 =	sadd.s32 $0x630, s10  }
0xd4: {  	[hbm4b:s31+s3] =	stream.linear.scatter [tilespmem:s30], [sflag:$0x1], $0x80, $0x38;
	[tilespmem:$0x4100] =	vst v63  }
0xd5: {  	s11 =	sshll.u32 s25, $0x7;
	s14 =	sor.u32 $0x1400, s19;
	s15 =	sadd.s32 $0x6B0, s10  }
0xd6: {  	[hbm4b:s15+s3] =	stream.linear.scatter [tilespmem:s14], [sflag:$0x1], $0x80, $0x38;
	[tilespmem:$0x4100] =	vst v63  }
0xd7: {  	s12 =	sand.u32 $0xFFFFE000, s29;
	s16 =	sor.u32 $0x1800, s19;
	s17 =	sadd.s32 $0x730, s10  }
0xd8: {  	[hbm4b:s17+s3] =	stream.linear.scatter [tilespmem:s16], [sflag:$0x1], $0x80, $0x38;
	[tilespmem:$0x4100] =	vst v63  }
0xd9: {  	s11 =	sand.u32 $0x380, s11;
	s9 =	sor.u32 $0x1C00, s19;
	s18 =	sadd.s32 $0x7B0, s10  }
0xda: {  	[hbm4b:s18+s3] =	stream.linear.scatter [tilespmem:s9], [sflag:$0x1], $0x80, $0x38;
	[tilespmem:$0x4100] =	vst v63  }
0xdb: {  	s19 =	sor.u32 s11, s12;
	s20 =	sadd.s32 $0x440, s10  }
0xdc: {  	[hbm4b:s20+s3] =	stream.linear.scatter [tilespmem:s19], [sflag:$0x1], $0x80, $0x38;
	[tilespmem:$0x4100] =	vst v63  }
0xdd: {  	s21 =	sor.u32 $0x400, s19;
	s22 =	sadd.s32 $0x4C0, s10  }
0xde: {  	[hbm4b:s22+s3] =	stream.linear.scatter [tilespmem:s21], [sflag:$0x1], $0x80, $0x38;
	[tilespmem:$0x4100] =	vst v63  }
0xdf: {  	s23 =	sor.u32 $0x800, s19;
	s24 =	sadd.s32 $0x540, s10  }
0xe0: {  	[hbm4b:s24+s3] =	stream.linear.scatter [tilespmem:s23], [sflag:$0x1], $0x80, $0x38;
	[tilespmem:$0x4100] =	vst v63  }
0xe1: {  	s25 =	spop (v2sf);
	s26 =	sor.u32 $0xC00, s19;
	s28 =	sadd.s32 $0x5C0, s10  }
0xe2: {  	(v2sf) =	vpush v0, $0xE;
	[hbm4b:s28+s3] =	stream.linear.scatter [tilespmem:s26], [sflag:$0x1], $0x80, $0x38;
	[tilespmem:$0x4100] =	vst v63  }
0xe3: {  	s29 =	sshll.u32 s25, $0xA;
	s30 =	sor.u32 $0x1000, s19;
	s31 =	sadd.s32 $0x640, s10  }
0xe4: {  	[hbm4b:s31+s3] =	stream.linear.scatter [tilespmem:s30], [sflag:$0x1], $0x80, $0x38;
	[tilespmem:$0x4100] =	vst v63  }
0xe5: {  	s11 =	sshll.u32 s25, $0x7;
	s15 =	sor.u32 $0x1400, s19;
	s16 =	sadd.s32 $0x6C0, s10  }
0xe6: {  	[hbm4b:s16+s3] =	stream.linear.scatter [tilespmem:s15], [sflag:$0x1], $0x80, $0x38;
	[tilespmem:$0x4100] =	vst v63  }
0xe7: {  	s11 =	sand.u32 $0x380, s11;
	s17 =	sor.u32 $0x1800, s19;
	s18 =	sadd.s32 $0x740, s10  }
0xe8: {  	[hbm4b:s18+s3] =	stream.linear.scatter [tilespmem:s17], [sflag:$0x1], $0x80, $0x38;
	[tilespmem:$0x4100] =	vst v63  }
0xe9: {  	s12 =	sand.u32 $0xFFFFE000, s29;
	s9 =	sor.u32 $0x1C00, s19;
	s19 =	sadd.s32 $0x7C0, s10  }
0xea: {  	[hbm4b:s19+s3] =	stream.linear.scatter [tilespmem:s9], [sflag:$0x1], $0x80, $0x38;
	[tilespmem:$0x4100] =	vst v63  }
0xeb: {  	s11 =	sor.u32 s11, s12;
	s20 =	sadd.s32 $0x450, s10  }
0xec: {  	[hbm4b:s20+s3] =	stream.linear.scatter [tilespmem:s11], [sflag:$0x1], $0x80, $0x38;
	[tilespmem:$0x4100] =	vst v63  }
0xed: {  	s21 =	sor.u32 $0x400, s11;
	s22 =	sadd.s32 $0x4D0, s10  }
0xee: {  	[hbm4b:s22+s3] =	stream.linear.scatter [tilespmem:s21], [sflag:$0x1], $0x80, $0x38;
	[tilespmem:$0x4100] =	vst v63  }
0xef: {  	s23 =	sor.u32 $0x800, s11;
	s24 =	sadd.s32 $0x550, s10  }
0xf0: {  	[hbm4b:s24+s3] =	stream.linear.scatter [tilespmem:s23], [sflag:$0x1], $0x80, $0x38;
	[tilespmem:$0x4100] =	vst v63  }
0xf1: {  	s25 =	spop (v2sf);
	s26 =	sor.u32 $0xC00, s11;
	s28 =	sadd.s32 $0x5D0, s10  }
0xf2: {  	(v2sf) =	vpush v0, $0xF;
	[hbm4b:s28+s3] =	stream.linear.scatter [tilespmem:s26], [sflag:$0x1], $0x80, $0x38;
	[tilespmem:$0x4100] =	vst v63  }
0xf3: {  	s29 =	sshll.u32 s25, $0xA;
	s30 =	sor.u32 $0x1000, s11;
	s31 =	sadd.s32 $0x650, s10  }
0xf4: {  	[hbm4b:s31+s3] =	stream.linear.scatter [tilespmem:s30], [sflag:$0x1], $0x80, $0x38;
	[tilespmem:$0x4100] =	vst v63  }
0xf5: {  	s12 =	sand.u32 $0xFFFFE000, s29;
	s15 =	sor.u32 $0x1400, s11;
	s16 =	sadd.s32 $0x6D0, s10  }
0xf6: {  	[hbm4b:s16+s3] =	stream.linear.scatter [tilespmem:s15], [sflag:$0x1], $0x80, $0x38;
	[tilespmem:$0x4100] =	vst v63  }
0xf7: {  	s17 =	sor.u32 $0x1800, s11;
	s18 =	sadd.s32 $0x750, s10;
	s9 =	sshll.u32 s25, $0x7  }
0xf8: {  	[hbm4b:s18+s3] =	stream.linear.scatter [tilespmem:s17], [sflag:$0x1], $0x80, $0x38;
	[tilespmem:$0x4100] =	vst v63  }
0xf9: {  	s19 =	sadd.s32 $0x7D0, s10;
	s9 =	sand.u32 $0x380, s9;
	s11 =	sor.u32 $0x1C00, s11  }
0xfa: {  	[hbm4b:s19+s3] =	stream.linear.scatter [tilespmem:s11], [sflag:$0x1], $0x80, $0x38;
	[tilespmem:$0x4100] =	vst v63  }
0xfb: {  	s20 =	sadd.s32 $0x460, s10;
	s9 =	sor.u32 s9, s12  }
0xfc: {  	[hbm4b:s20+s3] =	stream.linear.scatter [tilespmem:s9], [sflag:$0x1], $0x80, $0x38;
	[tilespmem:$0x4100] =	vst v63  }
0xfd: {  	s21 =	sor.u32 $0x400, s9;
	s22 =	sadd.s32 $0x4E0, s10  }
0xfe: {  	[hbm4b:s22+s3] =	stream.linear.scatter [tilespmem:s21], [sflag:$0x1], $0x80, $0x38;
	[tilespmem:$0x4100] =	vst v63  }
0xff: {  	s23 =	sor.u32 $0x800, s9;
	s24 =	sadd.s32 $0x560, s10  }
0x100: {  	[hbm4b:s24+s3] =	stream.linear.scatter [tilespmem:s23], [sflag:$0x1], $0x80, $0x38;
	[tilespmem:$0x4100] =	vst v63  }
0x101: {  	s25 =	spop (v2sf);
	s26 =	sor.u32 $0xC00, s9;
	s28 =	sadd.s32 $0x5E0, s10  }
0x102: {  	[hbm4b:s28+s3] =	stream.linear.scatter [tilespmem:s26], [sflag:$0x1], $0x80, $0x38;
	[tilespmem:$0x4100] =	vst v63  }
0x103: {  	s29 =	sshll.u32 s25, $0xA;
	s30 =	sor.u32 $0x1000, s9;
	s31 =	sadd.s32 $0x660, s10  }
0x104: {  	[hbm4b:s31+s3] =	stream.linear.scatter [tilespmem:s30], [sflag:$0x1], $0x80, $0x38;
	[tilespmem:$0x4100] =	vst v63  }
0x105: {  	s12 =	sand.u32 $0xFFFFE000, s29;
	s15 =	sor.u32 $0x1400, s9;
	s16 =	sadd.s32 $0x6E0, s10  }
0x106: {  	[hbm4b:s16+s3] =	stream.linear.scatter [tilespmem:s15], [sflag:$0x1], $0x80, $0x38;
	[tilespmem:$0x4100] =	vst v63  }
0x107: {  	s17 =	sor.u32 $0x1800, s9;
	s18 =	sadd.s32 $0x760, s10;
	s11 =	sshll.u32 s25, $0x7  }
0x108: {  	[hbm4b:s18+s3] =	stream.linear.scatter [tilespmem:s17], [sflag:$0x1], $0x80, $0x38;
	[tilespmem:$0x4100] =	vst v63  }
0x109: {  	s19 =	sadd.s32 $0x7E0, s10;
	s11 =	sand.u32 $0x380, s11;
	s9 =	sor.u32 $0x1C00, s9  }
0x10a: {  	[hbm4b:s19+s3] =	stream.linear.scatter [tilespmem:s9], [sflag:$0x1], $0x80, $0x38;
	[tilespmem:$0x4100] =	vst v63  }
0x10b: {  	s14 =	sadd.s32 $0x770, s10;
	s11 =	sor.u32 s11, s12;
	s20 =	sadd.s32 $0x470, s10  }
0x10c: {  	[hbm4b:s20+s3] =	stream.linear.scatter [tilespmem:s11], [sflag:$0x1], $0x80, $0x38;
	[tilespmem:$0x4100] =	vst v63  }
0x10d: {  	s29 =	sadd.s32 $0x670, s10;
	s21 =	sor.u32 $0x400, s11;
	s22 =	sadd.s32 $0x4F0, s10  }
0x10e: {  	[hbm4b:s22+s3] =	stream.linear.scatter [tilespmem:s21], [sflag:$0x1], $0x80, $0x38;
	[tilespmem:$0x4100] =	vst v63  }
0x10f: {  	s25 =	sor.u32 $0xC00, s11;
	s23 =	sor.u32 $0x800, s11;
	s24 =	sadd.s32 $0x570, s10  }
0x110: {  	[hbm4b:s24+s3] =	stream.linear.scatter [tilespmem:s23], [sflag:$0x1], $0x80, $0x38;
	[tilespmem:$0x4100] =	vst v63  }
0x111: {  	s13 =	sor.u32 $0x1800, s11;
	s12 =	sor.u32 $0x1C00, s11;
	s26 =	sadd.s32 $0x5F0, s10  }
0x112: {  	[hbm4b:s26+s3] =	stream.linear.scatter [tilespmem:s25], [sflag:$0x1], $0x80, $0x38;
	[tilespmem:$0x4100] =	vst v63  }
0x113: {  	s28 =	sor.u32 $0x1000, s11;
	s30 =	sor.u32 $0x1400, s11;
	s31 =	sadd.s32 $0x6F0, s10  }
0x114: {  	[hbm4b:s29+s3] =	stream.linear.scatter [tilespmem:s28], [sflag:$0x1], $0x80, $0x38;
	[tilespmem:$0x4100] =	vst v63  }
0x115: {  	s9 =	simm.s32 $0x800;
	s11 =	sadd.s32 $0x7F0, s10;
	s10 =	simm.s32 $0x4010  }
0x116: {  	[hbm4b:s31+s3] =	stream.linear.scatter [tilespmem:s30], [sflag:$0x1], $0x80, $0x38;
	[tilespmem:$0x4100] =	vst v63  }
.LBB2_2:
0x117: {  	[hbm4b:s14+s3] =	stream.linear.scatter [tilespmem:s13], [sflag:$0x1], $0x80, $0x38;
	[tilespmem:$0x4100] =	vst v63  }
0x118: {  	_ = 	snop  }
0x119: {  	[hbm4b:s11+s3] =	stream.linear.scatter [tilespmem:s12], [sflag:$0x1], $0x80, $0x38;
	[tilespmem:$0x4100] =	vst v63  }
0x11a: {  	v0 =	vld [tilespmem:s10+$0x0];
	_ =	sdelay $0x4  }
0x11b: {  	(v2sf) =	vpush v0, $0x0;
	_ =	sdelay $0xa  }
0x11c: {  	(v2sf) =	vpush v0, $0x1;
	_ =	sdelay $0x3  }
0x11d: {  	(v2sf) =	vpush v0, $0x2;
	s18 =	spop (v2sf)  }
0x11e: {  	s16 =	smov.u32 s9;
	s19 =	sshll.u32 s18, $0xA;
	s12 =	sshll.u32 s18, $0x7  }
0x11f: {  	s17 =	rddreg [dreg:$0x4];
	s20 =	sand.u32 $0xFFFFE000, s19;
	s12 =	sand.u32 $0x380, s12  }
0x120: {  	s11 =	sadd.s32 s16, s17;
	s12 =	sor.u32 s12, s20  }
0x121: {  	[hbm4b:s11+s3] =	stream.linear.scatter [tilespmem:s12], [sflag:$0x1], $0x80, $0x38;
	[tilespmem:$0x4100] =	vst v63  }
0x122: {  	s21 =	sadd.s32 $0x80, s11;
	s16 =	sor.u32 $0x400, s12  }
0x123: {  	[hbm4b:s21+s3] =	stream.linear.scatter [tilespmem:s16], [sflag:$0x1], $0x80, $0x38;
	[tilespmem:$0x4100] =	vst v63  }
0x124: {  	s24 =	sadd.s32 $0x180, s11;
	s18 =	sadd.s32 $0x100, s11;
	s17 =	sor.u32 $0x800, s12  }
0x125: {  	[hbm4b:s18+s3] =	stream.linear.scatter [tilespmem:s17], [sflag:$0x1], $0x80, $0x38;
	[tilespmem:$0x4100] =	vst v63  }
0x126: {  	s26 =	sadd.s32 $0x200, s11;
	s29 =	sadd.s32 $0x280, s11;
	s23 =	sor.u32 $0xC00, s12  }
0x127: {  	[hbm4b:s24+s3] =	stream.linear.scatter [tilespmem:s23], [sflag:$0x1], $0x80, $0x38;
	[tilespmem:$0x4100] =	vst v63  }
0x128: {  	s31 =	sadd.s32 $0x300, s11;
	s15 =	spop (v2sf);
	s25 =	sor.u32 $0x1000, s12  }
0x129: {  	[hbm4b:s26+s3] =	stream.linear.scatter [tilespmem:s25], [sflag:$0x1], $0x80, $0x38;
	[tilespmem:$0x4100] =	vst v63  }
0x12a: {  	s22 =	sshll.u32 s15, $0xA;
	s15 =	sshll.u32 s15, $0x7;
	s28 =	sor.u32 $0x1400, s12  }
0x12b: {  	[hbm4b:s29+s3] =	stream.linear.scatter [tilespmem:s28], [sflag:$0x1], $0x80, $0x38;
	[tilespmem:$0x4100] =	vst v63  }
0x12c: {  	s19 =	spop (v2sf);
	s15 =	sand.u32 $0x380, s15;
	s30 =	sor.u32 $0x1800, s12  }
0x12d: {  	(v2sf) =	vpush v0, $0x3;
	[hbm4b:s31+s3] =	stream.linear.scatter [tilespmem:s30], [sflag:$0x1], $0x80, $0x38;
	[tilespmem:$0x4100] =	vst v63  }
0x12e: {  	s14 =	sand.u32 $0xFFFFE000, s22;
	s12 =	sor.u32 $0x1C00, s12;
	s21 =	sadd.s32 $0x380, s11  }
0x12f: {  	[hbm4b:s21+s3] =	stream.linear.scatter [tilespmem:s12], [sflag:$0x1], $0x80, $0x38;
	[tilespmem:$0x4100] =	vst v63  }
0x130: {  	s20 =	sshll.u32 s19, $0xA;
	s22 =	sadd.s32 $0x10, s11;
	s14 =	sor.u32 s15, s14  }
0x131: {  	[hbm4b:s22+s3] =	stream.linear.scatter [tilespmem:s14], [sflag:$0x1], $0x80, $0x38;
	[tilespmem:$0x4100] =	vst v63  }
0x132: {  	s17 =	sand.u32 $0xFFFFE000, s20;
	s24 =	sor.u32 $0x400, s14;
	s25 =	sadd.s32 $0x90, s11  }
0x133: {  	[hbm4b:s25+s3] =	stream.linear.scatter [tilespmem:s24], [sflag:$0x1], $0x80, $0x38;
	[tilespmem:$0x4100] =	vst v63  }
0x134: {  	s23 =	sshll.u32 s19, $0x7;
	s26 =	sor.u32 $0x800, s14;
	s28 =	sadd.s32 $0x110, s11  }
0x135: {  	(v2sf) =	vpush v0, $0x4;
	[hbm4b:s28+s3] =	stream.linear.scatter [tilespmem:s26], [sflag:$0x1], $0x80, $0x38;
	[tilespmem:$0x4100] =	vst v63  }
0x136: {  	s15 =	sand.u32 $0x380, s23;
	s29 =	sor.u32 $0xC00, s14;
	s30 =	sadd.s32 $0x190, s11  }
0x137: {  	[hbm4b:s30+s3] =	stream.linear.scatter [tilespmem:s29], [sflag:$0x1], $0x80, $0x38;
	[tilespmem:$0x4100] =	vst v63  }
0x138: {  	s20 =	sor.u32 $0x1000, s14;
	s15 =	sor.u32 s15, s17;
	s21 =	sadd.s32 $0x210, s11  }
0x139: {  	[hbm4b:s21+s3] =	stream.linear.scatter [tilespmem:s20], [sflag:$0x1], $0x80, $0x38;
	[tilespmem:$0x4100] =	vst v63  }
0x13a: {  	s23 =	sor.u32 $0x1400, s14;
	s18 =	sor.u32 $0x400, s15;
	s24 =	sadd.s32 $0x290, s11  }
0x13b: {  	[hbm4b:s24+s3] =	stream.linear.scatter [tilespmem:s23], [sflag:$0x1], $0x80, $0x38;
	[tilespmem:$0x4100] =	vst v63  }
0x13c: {  	s31 =	spop (v2sf);
	s25 =	sor.u32 $0x1800, s14;
	s26 =	sadd.s32 $0x310, s11  }
0x13d: {  	[hbm4b:s26+s3] =	stream.linear.scatter [tilespmem:s25], [sflag:$0x1], $0x80, $0x38;
	[tilespmem:$0x4100] =	vst v63  }
0x13e: {  	s19 =	sshll.u32 s31, $0x7;
	s28 =	sor.u32 $0x1C00, s14;
	s29 =	sadd.s32 $0x390, s11  }
0x13f: {  	[hbm4b:s29+s3] =	stream.linear.scatter [tilespmem:s28], [sflag:$0x1], $0x80, $0x38;
	[tilespmem:$0x4100] =	vst v63  }
0x140: {  	s22 =	sshll.u32 s31, $0xA;
	s31 =	sadd.s32 $0x20, s11;
	s30 =	sand.u32 $0x380, s19  }
0x141: {  	(v2sf) =	vpush v0, $0x5;
	[hbm4b:s31+s3] =	stream.linear.scatter [tilespmem:s15], [sflag:$0x1], $0x80, $0x38;
	[tilespmem:$0x4100] =	vst v63  }
0x142: {  	s19 =	sadd.s32 $0xA0, s11;
	s20 =	sand.u32 $0xFFFFE000, s22;
	s21 =	sor.u32 $0x800, s15  }
0x143: {  	[hbm4b:s19+s3] =	stream.linear.scatter [tilespmem:s18], [sflag:$0x1], $0x80, $0x38;
	[tilespmem:$0x4100] =	vst v63  }
0x144: {  	s22 =	sadd.s32 $0x120, s11;
	s13 =	sor.u32 s30, s20;
	s20 =	spop (v2sf)  }
0x145: {  	[hbm4b:s22+s3] =	stream.linear.scatter [tilespmem:s21], [sflag:$0x1], $0x80, $0x38;
	[tilespmem:$0x4100] =	vst v63  }
0x146: {  	s30 =	sadd.s32 $0x2A0, s11;
	s24 =	sor.u32 $0xC00, s15;
	s25 =	sadd.s32 $0x1A0, s11  }
0x147: {  	[hbm4b:s25+s3] =	stream.linear.scatter [tilespmem:s24], [sflag:$0x1], $0x80, $0x38;
	[tilespmem:$0x4100] =	vst v63  }
0x148: {  	s23 =	sshll.u32 s20, $0xA;
	s26 =	sor.u32 $0x1000, s15;
	s28 =	sadd.s32 $0x220, s11  }
0x149: {  	[hbm4b:s28+s3] =	stream.linear.scatter [tilespmem:s26], [sflag:$0x1], $0x80, $0x38;
	[tilespmem:$0x4100] =	vst v63  }
0x14a: {  	s17 =	sshll.u32 s20, $0x7;
	s20 =	sor.u32 $0x1000, s13;
	s29 =	sor.u32 $0x1400, s15  }
0x14b: {  	(v2sf) =	vpush v0, $0x6;
	[hbm4b:s30+s3] =	stream.linear.scatter [tilespmem:s29], [sflag:$0x1], $0x80, $0x38;
	[tilespmem:$0x4100] =	vst v63  }
0x14c: {  	s31 =	sand.u32 $0x380, s17;
	s17 =	sor.u32 $0x1800, s15;
	s18 =	sadd.s32 $0x320, s11  }
0x14d: {  	[hbm4b:s18+s3] =	stream.linear.scatter [tilespmem:s17], [sflag:$0x1], $0x80, $0x38;
	[tilespmem:$0x4100] =	vst v63  }
0x14e: {  	s19 =	sand.u32 $0xFFFFE000, s23;
	s21 =	sor.u32 $0x1C00, s15;
	s22 =	sadd.s32 $0x3A0, s11  }
0x14f: {  	[hbm4b:s22+s3] =	stream.linear.scatter [tilespmem:s21], [sflag:$0x1], $0x80, $0x38;
	[tilespmem:$0x4100] =	vst v63  }
0x150: {  	s23 =	spop (v2sf);
	s12 =	sor.u32 s31, s19;
	s24 =	sadd.s32 $0x30, s11  }
0x151: {  	[hbm4b:s24+s3] =	stream.linear.scatter [tilespmem:s13], [sflag:$0x1], $0x80, $0x38;
	[tilespmem:$0x4100] =	vst v63  }
0x152: {  	s15 =	sor.u32 $0xC00, s13;
	s26 =	sor.u32 $0x400, s13;
	s28 =	sadd.s32 $0xB0, s11  }
0x153: {  	[hbm4b:s28+s3] =	stream.linear.scatter [tilespmem:s26], [sflag:$0x1], $0x80, $0x38;
	[tilespmem:$0x4100] =	vst v63  }
0x154: {  	s29 =	sor.u32 $0x800, s13;
	s30 =	sadd.s32 $0x130, s11;
	s18 =	sshll.u32 s23, $0x7  }
0x155: {  	(v2sf) =	vpush v0, $0x7;
	[hbm4b:s30+s3] =	stream.linear.scatter [tilespmem:s29], [sflag:$0x1], $0x80, $0x38;
	[tilespmem:$0x4100] =	vst v63  }
0x156: {  	s25 =	sshll.u32 s23, $0xA;
	s31 =	sand.u32 $0x380, s18;
	s18 =	sadd.s32 $0x1B0, s11  }
0x157: {  	[hbm4b:s18+s3] =	stream.linear.scatter [tilespmem:s15], [sflag:$0x1], $0x80, $0x38;
	[tilespmem:$0x4100] =	vst v63  }
0x158: {  	s17 =	sand.u32 $0xFFFFE000, s25;
	s23 =	sor.u32 $0x1400, s13;
	s21 =	sadd.s32 $0x230, s11  }
0x159: {  	[hbm4b:s21+s3] =	stream.linear.scatter [tilespmem:s20], [sflag:$0x1], $0x80, $0x38;
	[tilespmem:$0x4100] =	vst v63  }
0x15a: {  	s16 =	sor.u32 s31, s17;
	s22 =	spop (v2sf);
	s24 =	sadd.s32 $0x2B0, s11  }
0x15b: {  	[hbm4b:s24+s3] =	stream.linear.scatter [tilespmem:s23], [sflag:$0x1], $0x80, $0x38;
	[tilespmem:$0x4100] =	vst v63  }
0x15c: {  	s25 =	sshll.u32 s22, $0xA;
	s26 =	sor.u32 $0x1800, s13;
	s28 =	sadd.s32 $0x330, s11  }
0x15d: {  	[hbm4b:s28+s3] =	stream.linear.scatter [tilespmem:s26], [sflag:$0x1], $0x80, $0x38;
	[tilespmem:$0x4100] =	vst v63  }
0x15e: {  	s19 =	sshll.u32 s22, $0x7;
	s13 =	sor.u32 $0x1C00, s13;
	s29 =	sadd.s32 $0x3B0, s11  }
0x15f: {  	[hbm4b:s29+s3] =	stream.linear.scatter [tilespmem:s13], [sflag:$0x1], $0x80, $0x38;
	[tilespmem:$0x4100] =	vst v63  }
0x160: {  	s31 =	sadd.s32 $0x40, s11;
	s19 =	sand.u32 $0x380, s19;
	s30 =	sand.u32 $0xFFFFE000, s25  }
0x161: {  	(v2sf) =	vpush v0, $0x8;
	[hbm4b:s31+s3] =	stream.linear.scatter [tilespmem:s12], [sflag:$0x1], $0x80, $0x38;
	[tilespmem:$0x4100] =	vst v63  }
0x162: {  	s22 =	sadd.s32 $0xC0, s11;
	s15 =	sor.u32 s19, s30;
	s21 =	sor.u32 $0x400, s12  }
0x163: {  	[hbm4b:s22+s3] =	stream.linear.scatter [tilespmem:s21], [sflag:$0x1], $0x80, $0x38;
	[tilespmem:$0x4100] =	vst v63  }
0x164: {  	s20 =	spop (v2sf);
	s23 =	sor.u32 $0x800, s12;
	s24 =	sadd.s32 $0x140, s11  }
0x165: {  	(v2sf) =	vpush v0, $0x9;
	[hbm4b:s24+s3] =	stream.linear.scatter [tilespmem:s23], [sflag:$0x1], $0x80, $0x38;
	[tilespmem:$0x4100] =	vst v63  }
0x166: {  	s30 =	sadd.s32 $0x240, s11;
	s26 =	sor.u32 $0xC00, s12;
	s28 =	sadd.s32 $0x1C0, s11  }
0x167: {  	[hbm4b:s28+s3] =	stream.linear.scatter [tilespmem:s26], [sflag:$0x1], $0x80, $0x38;
	[tilespmem:$0x4100] =	vst v63  }
0x168: {  	s18 =	sor.u32 $0x800, s16;
	s25 =	sshll.u32 s20, $0xA;
	s29 =	sor.u32 $0x1000, s12  }
0x169: {  	[hbm4b:s30+s3] =	stream.linear.scatter [tilespmem:s29], [sflag:$0x1], $0x80, $0x38;
	[tilespmem:$0x4100] =	vst v63  }
0x16a: {  	s19 =	sshll.u32 s20, $0x7;
	s31 =	sor.u32 $0x1400, s12;
	s21 =	sadd.s32 $0x2C0, s11  }
0x16b: {  	[hbm4b:s21+s3] =	stream.linear.scatter [tilespmem:s31], [sflag:$0x1], $0x80, $0x38;
	[tilespmem:$0x4100] =	vst v63  }
0x16c: {  	s20 =	sand.u32 $0xFFFFE000, s25;
	s23 =	sor.u32 $0x1800, s12;
	s24 =	sadd.s32 $0x340, s11  }
0x16d: {  	(v2sf) =	vpush v0, $0xA;
	[hbm4b:s24+s3] =	stream.linear.scatter [tilespmem:s23], [sflag:$0x1], $0x80, $0x38;
	[tilespmem:$0x4100] =	vst v63  }
0x16e: {  	s25 =	sadd.s32 $0x3C0, s11;
	s22 =	sand.u32 $0x380, s19;
	s12 =	sor.u32 $0x1C00, s12  }
0x16f: {  	[hbm4b:s25+s3] =	stream.linear.scatter [tilespmem:s12], [sflag:$0x1], $0x80, $0x38;
	[tilespmem:$0x4100] =	vst v63  }
0x170: {  	s13 =	sor.u32 s22, s20;
	s26 =	spop (v2sf);
	s28 =	sadd.s32 $0x50, s11  }
0x171: {  	[hbm4b:s28+s3] =	stream.linear.scatter [tilespmem:s16], [sflag:$0x1], $0x80, $0x38;
	[tilespmem:$0x4100] =	vst v63  }
0x172: {  	s19 =	sshll.u32 s26, $0x7;
	s30 =	sor.u32 $0x400, s16;
	s31 =	sadd.s32 $0xD0, s11  }
0x173: {  	[hbm4b:s31+s3] =	stream.linear.scatter [tilespmem:s30], [sflag:$0x1], $0x80, $0x38;
	[tilespmem:$0x4100] =	vst v63  }
0x174: {  	s22 =	spop (v2sf);
	s29 =	sshll.u32 s26, $0xA;
	s21 =	sadd.s32 $0x150, s11  }
0x175: {  	[hbm4b:s21+s3] =	stream.linear.scatter [tilespmem:s18], [sflag:$0x1], $0x80, $0x38;
	[tilespmem:$0x4100] =	vst v63  }
0x176: {  	s26 =	sadd.s32 $0x250, s11;
	s23 =	sor.u32 $0xC00, s16;
	s24 =	sadd.s32 $0x1D0, s11  }
0x177: {  	[hbm4b:s24+s3] =	stream.linear.scatter [tilespmem:s23], [sflag:$0x1], $0x80, $0x38;
	[tilespmem:$0x4100] =	vst v63  }
0x178: {  	s20 =	sshll.u32 s22, $0x7;
	s14 =	sand.u32 $0xFFFFE000, s29;
	s25 =	sor.u32 $0x1000, s16  }
0x179: {  	(v2sf) =	vpush v0, $0xB;
	[hbm4b:s26+s3] =	stream.linear.scatter [tilespmem:s25], [sflag:$0x1], $0x80, $0x38;
	[tilespmem:$0x4100] =	vst v63  }
0x17a: {  	s29 =	sor.u32 $0x1800, s16;
	s28 =	sor.u32 $0x1400, s16;
	s23 =	sadd.s32 $0x2D0, s11  }
0x17b: {  	[hbm4b:s23+s3] =	stream.linear.scatter [tilespmem:s28], [sflag:$0x1], $0x80, $0x38;
	[tilespmem:$0x4100] =	vst v63  }
0x17c: {  	s12 =	sshll.u32 s22, $0xA;
	s30 =	sadd.s32 $0x350, s11;
	s31 =	spop (v2sf)  }
0x17d: {  	[hbm4b:s30+s3] =	stream.linear.scatter [tilespmem:s29], [sflag:$0x1], $0x80, $0x38;
	[tilespmem:$0x4100] =	vst v63  }
0x17e: {  	s16 =	sor.u32 $0x1C00, s16;
	s22 =	sshll.u32 s31, $0x7;
	s24 =	sadd.s32 $0x3D0, s11  }
0x17f: {  	(v2sf) =	vpush v0, $0xC;
	[hbm4b:s24+s3] =	stream.linear.scatter [tilespmem:s16], [sflag:$0x1], $0x80, $0x38;
	[tilespmem:$0x4100] =	vst v63  }
0x180: {  	s19 =	sand.u32 $0x380, s19;
	s22 =	sand.u32 $0x380, s22;
	s26 =	sadd.s32 $0x60, s11  }
0x181: {  	[hbm4b:s26+s3] =	stream.linear.scatter [tilespmem:s15], [sflag:$0x1], $0x80, $0x38;
	[tilespmem:$0x4100] =	vst v63  }
0x182: {  	s18 =	sor.u32 $0xC00, s15;
	s29 =	sor.u32 $0x400, s15;
	s30 =	sadd.s32 $0xE0, s11  }
0x183: {  	[hbm4b:s30+s3] =	stream.linear.scatter [tilespmem:s29], [sflag:$0x1], $0x80, $0x38;
	[tilespmem:$0x4100] =	vst v63  }
0x184: {  	s25 =	sshll.u32 s31, $0xA;
	s31 =	sor.u32 $0x800, s15;
	s24 =	sadd.s32 $0x160, s11  }
0x185: {  	[hbm4b:s24+s3] =	stream.linear.scatter [tilespmem:s31], [sflag:$0x1], $0x80, $0x38;
	[tilespmem:$0x4100] =	vst v63  }
0x186: {  	s21 =	sadd.s32 $0x1E0, s11;
	s28 =	sand.u32 $0xFFFFE000, s25;
	s25 =	sadd.s32 $0x260, s11  }
0x187: {  	[hbm4b:s21+s3] =	stream.linear.scatter [tilespmem:s18], [sflag:$0x1], $0x80, $0x38;
	[tilespmem:$0x4100] =	vst v63  }
0x188: {  	s17 =	sor.u32 s22, s28;
	s22 =	spop (v2sf);
	s24 =	sor.u32 $0x1000, s15  }
0x189: {  	[hbm4b:s25+s3] =	stream.linear.scatter [tilespmem:s24], [sflag:$0x1], $0x80, $0x38;
	[tilespmem:$0x4100] =	vst v63  }
0x18a: {  	s28 =	sor.u32 $0x1400, s15;
	s26 =	sshll.u32 s22, $0xA;
	s29 =	sadd.s32 $0x2E0, s11  }
0x18b: {  	[hbm4b:s29+s3] =	stream.linear.scatter [tilespmem:s28], [sflag:$0x1], $0x80, $0x38;
	[tilespmem:$0x4100] =	vst v63  }
0x18c: {  	s30 =	sor.u32 $0x1800, s15;
	s31 =	sadd.s32 $0x360, s11;
	s15 =	sor.u32 $0x1C00, s15  }
0x18d: {  	[hbm4b:s31+s3] =	stream.linear.scatter [tilespmem:s30], [sflag:$0x1], $0x80, $0x38;
	[tilespmem:$0x4100] =	vst v63  }
0x18e: {  	s21 =	sshll.u32 s22, $0x7;
	s22 =	spop (v2sf);
	s25 =	sadd.s32 $0x3E0, s11  }
0x18f: {  	[hbm4b:s25+s3] =	stream.linear.scatter [tilespmem:s15], [sflag:$0x1], $0x80, $0x38;
	[tilespmem:$0x4100] =	vst v63  }
0x190: {  	s24 =	sand.u32 $0xFFFFE000, s26;
	s26 =	sand.u32 $0x380, s21;
	s28 =	sadd.s32 $0x70, s11  }
0x191: {  	[hbm4b:s28+s3] =	stream.linear.scatter [tilespmem:s13], [sflag:$0x1], $0x80, $0x38;
	[tilespmem:$0x4100] =	vst v63  }
0x192: {  	s16 =	sor.u32 s26, s24;
	s29 =	sor.u32 $0x400, s13;
	s30 =	sadd.s32 $0xF0, s11  }
0x193: {  	(v2sf) =	vpush v0, $0xD;
	[hbm4b:s30+s3] =	stream.linear.scatter [tilespmem:s29], [sflag:$0x1], $0x80, $0x38;
	[tilespmem:$0x4100] =	vst v63  }
0x194: {  	s24 =	sor.u32 $0x800, s13;
	s26 =	sor.u32 $0xC00, s13;
	s25 =	sadd.s32 $0x170, s11  }
0x195: {  	(v2sf) =	vpush v0, $0xE;
	[hbm4b:s25+s3] =	stream.linear.scatter [tilespmem:s24], [sflag:$0x1], $0x80, $0x38;
	[tilespmem:$0x4100] =	vst v63  }
0x196: {  	s31 =	sshll.u32 s22, $0xA;
	s22 =	sshll.u32 s22, $0x7;
	s28 =	sadd.s32 $0x1F0, s11  }
0x197: {  	[hbm4b:s28+s3] =	stream.linear.scatter [tilespmem:s26], [sflag:$0x1], $0x80, $0x38;
	[tilespmem:$0x4100] =	vst v63  }
0x198: {  	s23 =	sand.u32 $0xFFFFE000, s31;
	s29 =	sor.u32 $0x1000, s13;
	s30 =	sadd.s32 $0x270, s11  }
0x199: {  	[hbm4b:s30+s3] =	stream.linear.scatter [tilespmem:s29], [sflag:$0x1], $0x80, $0x38;
	[tilespmem:$0x4100] =	vst v63  }
0x19a: {  	s22 =	sand.u32 $0x380, s22;
	s31 =	sor.u32 $0x1400, s13;
	s25 =	sadd.s32 $0x2F0, s11  }
0x19b: {  	[hbm4b:s25+s3] =	stream.linear.scatter [tilespmem:s31], [sflag:$0x1], $0x80, $0x38;
	[tilespmem:$0x4100] =	vst v63  }
0x19c: {  	s15 =	sor.u32 s22, s23;
	s22 =	sor.u32 $0x1800, s13;
	s23 =	sadd.s32 $0x370, s11  }
0x19d: {  	[hbm4b:s23+s3] =	stream.linear.scatter [tilespmem:s22], [sflag:$0x1], $0x80, $0x38;
	[tilespmem:$0x4100] =	vst v63  }
0x19e: {  	s20 =	sand.u32 $0x380, s20;
	s13 =	sor.u32 $0x1C00, s13;
	s25 =	sadd.s32 $0x3F0, s11  }
0x19f: {  	(v2sf) =	vpush v0, $0xF;
	[hbm4b:s25+s3] =	stream.linear.scatter [tilespmem:s13], [sflag:$0x1], $0x80, $0x38;
	[tilespmem:$0x4100] =	vst v63  }
0x1a0: {  	s12 =	sand.u32 $0xFFFFE000, s12;
	s26 =	sadd.s32 $0x400, s11;
	s22 =	sor.u32 s19, s14  }
0x1a1: {  	[hbm4b:s26+s3] =	stream.linear.scatter [tilespmem:s22], [sflag:$0x1], $0x80, $0x38;
	[tilespmem:$0x4100] =	vst v63  }
0x1a2: {  	s24 =	spop (v2sf);
	s28 =	sadd.s32 $0x480, s11;
	s14 =	sor.u32 $0x400, s22  }
0x1a3: {  	[hbm4b:s28+s3] =	stream.linear.scatter [tilespmem:s14], [sflag:$0x1], $0x80, $0x38;
	[tilespmem:$0x4100] =	vst v63  }
0x1a4: {  	s29 =	spop (v2sf);
	s31 =	sadd.s32 $0x500, s11;
	s30 =	sor.u32 $0x800, s22  }
0x1a5: {  	[hbm4b:s31+s3] =	stream.linear.scatter [tilespmem:s30], [sflag:$0x1], $0x80, $0x38;
	[tilespmem:$0x4100] =	vst v63  }
0x1a6: {  	s13 =	sshll.u32 s29, $0xA;
	s26 =	sadd.s32 $0x580, s11;
	s28 =	sor.u32 $0xC00, s22  }
0x1a7: {  	[hbm4b:s26+s3] =	stream.linear.scatter [tilespmem:s28], [sflag:$0x1], $0x80, $0x38;
	[tilespmem:$0x4100] =	vst v63  }
0x1a8: {  	s14 =	sshll.u32 s29, $0x7;
	s29 =	sor.u32 $0x1000, s22;
	s30 =	sadd.s32 $0x600, s11  }
0x1a9: {  	[hbm4b:s30+s3] =	stream.linear.scatter [tilespmem:s29], [sflag:$0x1], $0x80, $0x38;
	[tilespmem:$0x4100] =	vst v63  }
0x1aa: {  	s20 =	sor.u32 s20, s12;
	s31 =	sadd.s32 $0x680, s11;
	s26 =	sor.u32 $0x1400, s22  }
0x1ab: {  	[hbm4b:s31+s3] =	stream.linear.scatter [tilespmem:s26], [sflag:$0x1], $0x80, $0x38;
	[tilespmem:$0x4100] =	vst v63  }
0x1ac: {  	s18 =	sshll.u32 s24, $0xA;
	s29 =	sor.u32 $0x1800, s22;
	s30 =	sadd.s32 $0x700, s11  }
0x1ad: {  	[hbm4b:s30+s3] =	stream.linear.scatter [tilespmem:s29], [sflag:$0x1], $0x80, $0x38;
	[tilespmem:$0x4100] =	vst v63  }
0x1ae: {  	s25 =	spop (v2sf);
	s22 =	sor.u32 $0x1C00, s22;
	s31 =	sadd.s32 $0x780, s11  }
0x1af: {  	[hbm4b:s31+s3] =	stream.linear.scatter [tilespmem:s22], [sflag:$0x1], $0x80, $0x38;
	[tilespmem:$0x4100] =	vst v63  }
0x1b0: {  	s19 =	sshll.u32 s24, $0x7;
	s24 =	sadd.s32 $0x410, s11;
	s28 =	sshll.u32 s25, $0xA  }
0x1b1: {  	[hbm4b:s24+s3] =	stream.linear.scatter [tilespmem:s20], [sflag:$0x1], $0x80, $0x38;
	[tilespmem:$0x4100] =	vst v63  }
0x1b2: {  	s12 =	sand.u32 $0xFFFFE000, s28;
	s28 =	sadd.s32 $0x490, s11;
	s26 =	sor.u32 $0x400, s20  }
0x1b3: {  	[hbm4b:s28+s3] =	stream.linear.scatter [tilespmem:s26], [sflag:$0x1], $0x80, $0x38;
	[tilespmem:$0x4100] =	vst v63  }
0x1b4: {  	s30 =	sor.u32 $0x800, s20;
	s31 =	sadd.s32 $0x510, s11  }
0x1b5: {  	[hbm4b:s31+s3] =	stream.linear.scatter [tilespmem:s30], [sflag:$0x1], $0x80, $0x38;
	[tilespmem:$0x4100] =	vst v63  }
0x1b6: {  	s23 =	sor.u32 $0xC00, s20;
	s29 =	sshll.u32 s25, $0x7;
	s26 =	sadd.s32 $0x590, s11  }
0x1b7: {  	[hbm4b:s26+s3] =	stream.linear.scatter [tilespmem:s23], [sflag:$0x1], $0x80, $0x38;
	[tilespmem:$0x4100] =	vst v63  }
0x1b8: {  	s24 =	sand.u32 $0x380, s29;
	s29 =	sadd.s32 $0x610, s11;
	s28 =	sor.u32 $0x1000, s20  }
0x1b9: {  	[hbm4b:s29+s3] =	stream.linear.scatter [tilespmem:s28], [sflag:$0x1], $0x80, $0x38;
	[tilespmem:$0x4100] =	vst v63  }
0x1ba: {  	s30 =	sor.u32 $0x1400, s20;
	s31 =	sadd.s32 $0x690, s11  }
0x1bb: {  	[hbm4b:s31+s3] =	stream.linear.scatter [tilespmem:s30], [sflag:$0x1], $0x80, $0x38;
	[tilespmem:$0x4100] =	vst v63  }
0x1bc: {  	s25 =	sor.u32 $0x1800, s20;
	s26 =	sadd.s32 $0x710, s11  }
0x1bd: {  	[hbm4b:s26+s3] =	stream.linear.scatter [tilespmem:s25], [sflag:$0x1], $0x80, $0x38;
	[tilespmem:$0x4100] =	vst v63  }
0x1be: {  	s20 =	sor.u32 $0x1C00, s20;
	s28 =	sadd.s32 $0x790, s11  }
0x1bf: {  	[hbm4b:s28+s3] =	stream.linear.scatter [tilespmem:s20], [sflag:$0x1], $0x80, $0x38;
	[tilespmem:$0x4100] =	vst v63  }
0x1c0: {  	s29 =	sadd.s32 $0x420, s11  }
0x1c1: {  	[hbm4b:s29+s3] =	stream.linear.scatter [tilespmem:s17], [sflag:$0x1], $0x80, $0x38;
	[tilespmem:$0x4100] =	vst v63  }
0x1c2: {  	s30 =	sor.u32 $0x400, s17;
	s31 =	sadd.s32 $0x4A0, s11  }
0x1c3: {  	[hbm4b:s31+s3] =	stream.linear.scatter [tilespmem:s30], [sflag:$0x1], $0x80, $0x38;
	[tilespmem:$0x4100] =	vst v63  }
0x1c4: {  	s12 =	sor.u32 s24, s12;
	s24 =	sadd.s32 $0x520, s11;
	s23 =	sor.u32 $0x800, s17  }
0x1c5: {  	[hbm4b:s24+s3] =	stream.linear.scatter [tilespmem:s23], [sflag:$0x1], $0x80, $0x38;
	[tilespmem:$0x4100] =	vst v63  }
0x1c6: {  	s25 =	sor.u32 $0xC00, s17;
	s26 =	sadd.s32 $0x5A0, s11  }
0x1c7: {  	[hbm4b:s26+s3] =	stream.linear.scatter [tilespmem:s25], [sflag:$0x1], $0x80, $0x38;
	[tilespmem:$0x4100] =	vst v63  }
0x1c8: {  	s28 =	sor.u32 $0x1000, s17;
	s29 =	sadd.s32 $0x620, s11  }
0x1c9: {  	[hbm4b:s29+s3] =	stream.linear.scatter [tilespmem:s28], [sflag:$0x1], $0x80, $0x38;
	[tilespmem:$0x4100] =	vst v63  }
0x1ca: {  	s30 =	sor.u32 $0x1400, s17;
	s31 =	sadd.s32 $0x6A0, s11  }
0x1cb: {  	[hbm4b:s31+s3] =	stream.linear.scatter [tilespmem:s30], [sflag:$0x1], $0x80, $0x38;
	[tilespmem:$0x4100] =	vst v63  }
0x1cc: {  	s23 =	sor.u32 $0x1800, s17;
	s24 =	sadd.s32 $0x720, s11  }
0x1cd: {  	[hbm4b:s24+s3] =	stream.linear.scatter [tilespmem:s23], [sflag:$0x1], $0x80, $0x38;
	[tilespmem:$0x4100] =	vst v63  }
0x1ce: {  	s17 =	sor.u32 $0x1C00, s17;
	s25 =	sadd.s32 $0x7A0, s11  }
0x1cf: {  	[hbm4b:s25+s3] =	stream.linear.scatter [tilespmem:s17], [sflag:$0x1], $0x80, $0x38;
	[tilespmem:$0x4100] =	vst v63  }
0x1d0: {  	s26 =	sadd.s32 $0x430, s11  }
0x1d1: {  	[hbm4b:s26+s3] =	stream.linear.scatter [tilespmem:s16], [sflag:$0x1], $0x80, $0x38;
	[tilespmem:$0x4100] =	vst v63  }
0x1d2: {  	s28 =	sor.u32 $0x400, s16;
	s29 =	sadd.s32 $0x4B0, s11  }
0x1d3: {  	[hbm4b:s29+s3] =	stream.linear.scatter [tilespmem:s28], [sflag:$0x1], $0x80, $0x38;
	[tilespmem:$0x4100] =	vst v63  }
0x1d4: {  	s30 =	sor.u32 $0x800, s16;
	s31 =	sadd.s32 $0x530, s11  }
0x1d5: {  	[hbm4b:s31+s3] =	stream.linear.scatter [tilespmem:s30], [sflag:$0x1], $0x80, $0x38;
	[tilespmem:$0x4100] =	vst v63  }
0x1d6: {  	s23 =	sor.u32 $0xC00, s16;
	s24 =	sadd.s32 $0x5B0, s11  }
0x1d7: {  	[hbm4b:s24+s3] =	stream.linear.scatter [tilespmem:s23], [sflag:$0x1], $0x80, $0x38;
	[tilespmem:$0x4100] =	vst v63  }
0x1d8: {  	s25 =	sor.u32 $0x1000, s16;
	s26 =	sadd.s32 $0x630, s11  }
0x1d9: {  	[hbm4b:s26+s3] =	stream.linear.scatter [tilespmem:s25], [sflag:$0x1], $0x80, $0x38;
	[tilespmem:$0x4100] =	vst v63  }
0x1da: {  	s28 =	sor.u32 $0x1400, s16;
	s29 =	sadd.s32 $0x6B0, s11  }
0x1db: {  	[hbm4b:s29+s3] =	stream.linear.scatter [tilespmem:s28], [sflag:$0x1], $0x80, $0x38;
	[tilespmem:$0x4100] =	vst v63  }
0x1dc: {  	s30 =	sor.u32 $0x1800, s16;
	s31 =	sadd.s32 $0x730, s11  }
0x1dd: {  	[hbm4b:s31+s3] =	stream.linear.scatter [tilespmem:s30], [sflag:$0x1], $0x80, $0x38;
	[tilespmem:$0x4100] =	vst v63  }
0x1de: {  	s16 =	sor.u32 $0x1C00, s16;
	s23 =	sadd.s32 $0x7B0, s11  }
0x1df: {  	[hbm4b:s23+s3] =	stream.linear.scatter [tilespmem:s16], [sflag:$0x1], $0x80, $0x38;
	[tilespmem:$0x4100] =	vst v63  }
0x1e0: {  	s24 =	sadd.s32 $0x440, s11  }
0x1e1: {  	[hbm4b:s24+s3] =	stream.linear.scatter [tilespmem:s15], [sflag:$0x1], $0x80, $0x38;
	[tilespmem:$0x4100] =	vst v63  }
0x1e2: {  	s25 =	sor.u32 $0x400, s15;
	s26 =	sadd.s32 $0x4C0, s11  }
0x1e3: {  	[hbm4b:s26+s3] =	stream.linear.scatter [tilespmem:s25], [sflag:$0x1], $0x80, $0x38;
	[tilespmem:$0x4100] =	vst v63  }
0x1e4: {  	s28 =	sor.u32 $0x800, s15;
	s29 =	sadd.s32 $0x540, s11  }
0x1e5: {  	[hbm4b:s29+s3] =	stream.linear.scatter [tilespmem:s28], [sflag:$0x1], $0x80, $0x38;
	[tilespmem:$0x4100] =	vst v63  }
0x1e6: {  	s30 =	sor.u32 $0xC00, s15;
	s31 =	sadd.s32 $0x5C0, s11  }
0x1e7: {  	[hbm4b:s31+s3] =	stream.linear.scatter [tilespmem:s30], [sflag:$0x1], $0x80, $0x38;
	[tilespmem:$0x4100] =	vst v63  }
0x1e8: {  	s22 =	sor.u32 $0x1000, s15;
	s23 =	sadd.s32 $0x640, s11  }
0x1e9: {  	[hbm4b:s23+s3] =	stream.linear.scatter [tilespmem:s22], [sflag:$0x1], $0x80, $0x38;
	[tilespmem:$0x4100] =	vst v63  }
0x1ea: {  	s24 =	sor.u32 $0x1400, s15;
	s25 =	sadd.s32 $0x6C0, s11  }
0x1eb: {  	[hbm4b:s25+s3] =	stream.linear.scatter [tilespmem:s24], [sflag:$0x1], $0x80, $0x38;
	[tilespmem:$0x4100] =	vst v63  }
0x1ec: {  	s19 =	sand.u32 $0x380, s19;
	s26 =	sor.u32 $0x1800, s15;
	s28 =	sadd.s32 $0x740, s11  }
0x1ed: {  	[hbm4b:s28+s3] =	stream.linear.scatter [tilespmem:s26], [sflag:$0x1], $0x80, $0x38;
	[tilespmem:$0x4100] =	vst v63  }
0x1ee: {  	s15 =	sor.u32 $0x1C00, s15;
	s29 =	sadd.s32 $0x7C0, s11;
	s30 =	sand.u32 $0xFFFFE000, s18  }
0x1ef: {  	[hbm4b:s29+s3] =	stream.linear.scatter [tilespmem:s15], [sflag:$0x1], $0x80, $0x38;
	[tilespmem:$0x4100] =	vst v63  }
0x1f0: {  	s31 =	sadd.s32 $0x450, s11;
	s17 =	sor.u32 s19, s30  }
0x1f1: {  	[hbm4b:s31+s3] =	stream.linear.scatter [tilespmem:s17], [sflag:$0x1], $0x80, $0x38;
	[tilespmem:$0x4100] =	vst v63  }
0x1f2: {  	s20 =	sadd.s32 $0x4D0, s11;
	s19 =	sor.u32 $0x400, s17  }
0x1f3: {  	[hbm4b:s20+s3] =	stream.linear.scatter [tilespmem:s19], [sflag:$0x1], $0x80, $0x38;
	[tilespmem:$0x4100] =	vst v63  }
0x1f4: {  	s21 =	sor.u32 $0x800, s17;
	s22 =	sadd.s32 $0x550, s11  }
0x1f5: {  	[hbm4b:s22+s3] =	stream.linear.scatter [tilespmem:s21], [sflag:$0x1], $0x80, $0x38;
	[tilespmem:$0x4100] =	vst v63  }
0x1f6: {  	s23 =	sor.u32 $0xC00, s17;
	s24 =	sadd.s32 $0x5D0, s11  }
0x1f7: {  	[hbm4b:s24+s3] =	stream.linear.scatter [tilespmem:s23], [sflag:$0x1], $0x80, $0x38;
	[tilespmem:$0x4100] =	vst v63  }
0x1f8: {  	s25 =	sor.u32 $0x1000, s17;
	s26 =	sadd.s32 $0x650, s11  }
0x1f9: {  	[hbm4b:s26+s3] =	stream.linear.scatter [tilespmem:s25], [sflag:$0x1], $0x80, $0x38;
	[tilespmem:$0x4100] =	vst v63  }
0x1fa: {  	s28 =	sor.u32 $0x1400, s17;
	s29 =	sadd.s32 $0x6D0, s11  }
0x1fb: {  	[hbm4b:s29+s3] =	stream.linear.scatter [tilespmem:s28], [sflag:$0x1], $0x80, $0x38;
	[tilespmem:$0x4100] =	vst v63  }
0x1fc: {  	s13 =	sand.u32 $0xFFFFE000, s13;
	s30 =	sor.u32 $0x1800, s17;
	s31 =	sadd.s32 $0x750, s11  }
0x1fd: {  	[hbm4b:s31+s3] =	stream.linear.scatter [tilespmem:s30], [sflag:$0x1], $0x80, $0x38;
	[tilespmem:$0x4100] =	vst v63  }
0x1fe: {  	s14 =	sand.u32 $0x380, s14;
	s17 =	sor.u32 $0x1C00, s17;
	s20 =	sadd.s32 $0x7D0, s11  }
0x1ff: {  	[hbm4b:s20+s3] =	stream.linear.scatter [tilespmem:s17], [sflag:$0x1], $0x80, $0x38;
	[tilespmem:$0x4100] =	vst v63  }
0x200: {  	s13 =	sor.u32 s14, s13;
	s21 =	sadd.s32 $0x460, s11  }
0x201: {  	[hbm4b:s21+s3] =	stream.linear.scatter [tilespmem:s13], [sflag:$0x1], $0x80, $0x38;
	[tilespmem:$0x4100] =	vst v63  }
0x202: {  	s14 =	sor.u32 $0x400, s13;
	s22 =	sadd.s32 $0x4E0, s11  }
0x203: {  	[hbm4b:s22+s3] =	stream.linear.scatter [tilespmem:s14], [sflag:$0x1], $0x80, $0x38;
	[tilespmem:$0x4100] =	vst v63  }
0x204: {  	s23 =	sor.u32 $0x800, s13;
	s24 =	sadd.s32 $0x560, s11  }
0x205: {  	[hbm4b:s24+s3] =	stream.linear.scatter [tilespmem:s23], [sflag:$0x1], $0x80, $0x38;
	[tilespmem:$0x4100] =	vst v63  }
0x206: {  	s25 =	sor.u32 $0xC00, s13;
	s26 =	sadd.s32 $0x5E0, s11  }
0x207: {  	[hbm4b:s26+s3] =	stream.linear.scatter [tilespmem:s25], [sflag:$0x1], $0x80, $0x38;
	[tilespmem:$0x4100] =	vst v63  }
0x208: {  	s28 =	sor.u32 $0x1000, s13;
	s29 =	sadd.s32 $0x660, s11  }
0x209: {  	[hbm4b:s29+s3] =	stream.linear.scatter [tilespmem:s28], [sflag:$0x1], $0x80, $0x38;
	[tilespmem:$0x4100] =	vst v63  }
0x20a: {  	s30 =	sor.u32 $0x1400, s13;
	s31 =	sadd.s32 $0x6E0, s11  }
0x20b: {  	[hbm4b:s31+s3] =	stream.linear.scatter [tilespmem:s30], [sflag:$0x1], $0x80, $0x38;
	[tilespmem:$0x4100] =	vst v63  }
0x20c: {  	s18 =	sadd.s32 $0x760, s11;
	s17 =	sor.u32 $0x1800, s13  }
0x20d: {  	[hbm4b:s18+s3] =	stream.linear.scatter [tilespmem:s17], [sflag:$0x1], $0x80, $0x38;
	[tilespmem:$0x4100] =	vst v63  }
0x20e: {  	s19 =	sadd.s32 $0x7E0, s11;
	s13 =	sor.u32 $0x1C00, s13  }
0x20f: {  	[hbm4b:s19+s3] =	stream.linear.scatter [tilespmem:s13], [sflag:$0x1], $0x80, $0x38;
	[tilespmem:$0x4100] =	vst v63  }
0x210: {  	s20 =	sadd.s32 $0x470, s11  }
0x211: {  	[hbm4b:s20+s3] =	stream.linear.scatter [tilespmem:s12], [sflag:$0x1], $0x80, $0x38;
	[tilespmem:$0x4100] =	vst v63  }
0x212: {  	p0 =	sne.s32 s9, $0x7800;
	s21 =	sor.u32 $0x400, s12;
	s22 =	sadd.s32 $0x4F0, s11  }
0x213: {  	[hbm4b:s22+s3] =	stream.linear.scatter [tilespmem:s21], [sflag:$0x1], $0x80, $0x38;
	[tilespmem:$0x4100] =	vst v63  }
0x214: {  	s9 =	sadd.s32 $0x800, s9;
	s23 =	sor.u32 $0x800, s12;
	s24 =	sadd.s32 $0x570, s11  }
0x215: {  	[hbm4b:s24+s3] =	stream.linear.scatter [tilespmem:s23], [sflag:$0x1], $0x80, $0x38;
	[tilespmem:$0x4100] =	vst v63  }
0x216: {  	s10 =	sadd.s32 $0x10, s10;
	s25 =	sor.u32 $0xC00, s12;
	s26 =	sadd.s32 $0x5F0, s11  }
0x217: {  	[hbm4b:s26+s3] =	stream.linear.scatter [tilespmem:s25], [sflag:$0x1], $0x80, $0x38;
	[tilespmem:$0x4100] =	vst v63  }
.Ltmp0:
0x218: {  	s14 =	sadd.s32 $0x770, s11;
	s28 =	sor.u32 $0x1000, s12;
	(pc) =	sbr.rel @p0 .LBB2_2-.Ltmp0, $4  }
0x219: {  	s29 =	sadd.s32 $0x670, s11;
	s30 =	sor.u32 $0x1400, s12;
	s31 =	sadd.s32 $0x6F0, s11  }
0x21a: {  	[hbm4b:s29+s3] =	stream.linear.scatter [tilespmem:s28], [sflag:$0x1], $0x80, $0x38;
	[tilespmem:$0x4100] =	vst v63  }
0x21b: {  	s11 =	sadd.s32 $0x7F0, s11;
	s13 =	sor.u32 $0x1800, s12;
	s12 =	sor.u32 $0x1C00, s12  }
0x21c: {  	[hbm4b:s31+s3] =	stream.linear.scatter [tilespmem:s30], [sflag:$0x1], $0x80, $0x38;
	[tilespmem:$0x4100] =	vst v63  }
0x21d: {  	[hbm4b:s14+s3] =	stream.linear.scatter [tilespmem:s13], [sflag:$0x1], $0x80, $0x38;
	[tilespmem:$0x4100] =	vst v63  }
0x21e: {  	_ = 	snop  }
0x21f: {  	[hbm4b:s11+s3] =	stream.linear.scatter [tilespmem:s12], [sflag:$0x1], $0x80, $0x38;
	[tilespmem:$0x4100] =	vst v63  }
0x220: {  	_ =	swait.ge [sflag:s7], $0x4000  }
0x221: {  	[sflag:s7] =	ssyncset.done $0x0  }
0x222: {  	[sflag:s7] =	ssyncadd.s32 $0xFFFFC000  }
0x223: {  	_ =	swait.ge [sflag:s7], $0x4000  }
0x224: {  	[sflag:s7] =	ssyncset.done $0x0  }
0x225: {  	[sflag:s7] =	ssyncadd.s32 $0xFFFFC000  }
0x226: {  	_ =	swait.ge [sflag:s7], $0x4000  }
0x227: {  	[sflag:s7] =	ssyncset.done $0x0  }
0x228: {  	[sflag:s7] =	ssyncadd.s32 $0xFFFFC000  }
0x229: {  	_ =	swait.ge [sflag:s7], $0x4000  }
0x22a: {  	[sflag:s7] =	ssyncset.done $0x0  }
0x22b: {  	[sflag:s7] =	ssyncadd.s32 $0xFFFFC000  }
0x22c: {  	_ =	swait.ge [sflag:s7], $0x4000  }
0x22d: {  	[sflag:s7] =	ssyncset.done $0x0  }
0x22e: {  	[sflag:s7] =	ssyncadd.s32 $0xFFFFC000  }
0x22f: {  	_ =	swait.ge [sflag:s7], $0x4000  }
0x230: {  	[sflag:s7] =	ssyncset.done $0x0  }
0x231: {  	[sflag:s7] =	ssyncadd.s32 $0xFFFFC000  }
0x232: {  	_ =	swait.ge [sflag:s7], $0x4000  }
0x233: {  	[sflag:s7] =	ssyncset.done $0x0  }
0x234: {  	[sflag:s7] =	ssyncadd.s32 $0xFFFFC000  }
0x235: {  	_ =	swait.ge [sflag:s7], $0x4000  }
0x236: {  	[sflag:s7] =	ssyncset.done $0x0  }
0x237: {  	[sflag:s7] =	ssyncadd.s32 $0xFFFFC000  }
0x238: {  	_ =	swait.ge [sflag:s7], $0x4000  }
0x239: {  	[sflag:s7] =	ssyncset.done $0x0  }
0x23a: {  	[sflag:s7] =	ssyncadd.s32 $0xFFFFC000  }
0x23b: {  	_ =	swait.ge [sflag:s7], $0x4000  }
0x23c: {  	[sflag:s7] =	ssyncset.done $0x0  }
0x23d: {  	[sflag:s7] =	ssyncadd.s32 $0xFFFFC000  }
0x23e: {  	_ =	swait.ge [sflag:s7], $0x4000  }
0x23f: {  	[sflag:s7] =	ssyncset.done $0x0  }
0x240: {  	[sflag:s7] =	ssyncadd.s32 $0xFFFFC000  }
0x241: {  	_ =	swait.ge [sflag:s7], $0x4000  }
0x242: {  	[sflag:s7] =	ssyncset.done $0x0  }
0x243: {  	[sflag:s7] =	ssyncadd.s32 $0xFFFFC000  }
0x244: {  	_ =	swait.ge [sflag:s7], $0x4000  }
0x245: {  	[sflag:s7] =	ssyncset.done $0x0  }
0x246: {  	[sflag:s7] =	ssyncadd.s32 $0xFFFFC000  }
0x247: {  	_ =	swait.ge [sflag:s7], $0x4000  }
0x248: {  	[sflag:s7] =	ssyncset.done $0x0  }
0x249: {  	s8 =	sadd.s32 $0x1, s8;
	[sflag:s7] =	ssyncadd.s32 $0xFFFFC000  }
0x24a: {  	p0 =	sne.s32 s8, s5;
	_ =	swait.ge [sflag:s7], $0x4000  }
.Ltmp1:
0x24b: {  	[sflag:s7] =	ssyncset.done $0x0;
	(pc) =	sbr.rel @p0 .LBB2_1-.Ltmp1, $4  }
0x24c: {  	[sflag:s7] =	ssyncadd.s32 $0xFFFFC000  }
0x24d: {  	_ =	swait.ge [sflag:s7], $0x4000  }
0x24e: {  	[sflag:s7] =	ssyncset.done $0x0  }
0x24f: {  	[sflag:s7] =	ssyncadd.s32 $0xFFFFC000  }
0x250: {  	_ =	sfence.sel $0x180000  }
0x251: {  	[bflag:$0x0] =	sbarrier.arrive $0xFFFF  }
0x252: {  	p0 =	sne.s32 s1, $0x0;
	_ =	strace $0x90000047  }
0x253: {  	s0 =	sadd.s32 @!p0 $0x100000, s0;
	[bflag:$0x2] =	sbarrier.arrive $0xFFFF  }
0x254: {  	[sflag:s0] =	ssyncadd.tile.s32 @!p0 $0x1;
	_ =	shalt  }
.Lfunc_end2:
_tile_overlayer_lowered:
.L_overlay_start_2:
0x255: {  	(tag) =	ssettag $0x2  }
0x256: {  	s0 =	rddreg [dreg:$0x0];
	s2 =	stileid.u32  }
0x257: {  	s1 =	rddreg [dreg:$0x1];
	p0 =	sne.s32 s2, $0x0  }
0x258: {  	s3 =	rddreg [dreg:$0x2];
	[bflag:$0x3] =	sbarrier.arrive $0xFFFF;
	s2 =	simm.s32 @!p0 $0x1C02  }
0x259: {  	[timem:s3], [sflag:s2] =	dma.local @!p0 [hbm:s0], s1  }
0x25a: {  	s0 =	simm.s32 @!p0 $0x2  }
0x25b: {  	_ =	swait.ge @!p0 [sflag:s0], s1  }
0x25c: {  	s1 =	ssub.s32 @!p0 $0x0, s1;
	[sflag:s0] =	ssyncset.done @!p0 $0x0  }
0x25d: {  	[sflag:s0] =	ssyncadd.s32 @!p0 s1  }
0x25e: {  	[bflag:$0x3] =	sbarrier.arrive $0xFFFF  }
0x25f: {  	_ =	shalt  }

</sc_bundles>
